<compile_context>
chip_gen: v7x
topology: tpu7x:2x2x1
jax: 0.10.2.dev20260603
libtpu: 0.0.44.dev20260713+nightly
codegen_flags: <defaults>
</compile_context>

<pallas_src>
import dataclasses
import functools

import jax
import jax.numpy as jnp
from jax import lax
from jax.experimental import pallas as pl
from jax.experimental.pallas import tpu as pltpu
from jax.experimental.pallas import tpu_sc as plsc

N_NODES = 10000
N_EDGES = 320000
D = 128

NC = 2
NS = 16
NW = NC * NS
LANES = 16

N_PAD = 10240
EDGES_MAIN = 9984
EDGES_WIN = 10496
UNROLL = 8
GROUPS = EDGES_MAIN // LANES
OUTER = GROUPS // UNROLL
TAIL_GROUPS = (EDGES_WIN - EDGES_MAIN) // LANES

_mesh = plsc.VectorSubcoreMesh(core_axis_name="c", subcore_axis_name="s")

_cp = pltpu.CompilerParams()
if "needs_layout_passes" in pltpu.CompilerParams.__dataclass_fields__:
    _cp = dataclasses.replace(_cp, needs_layout_passes=False)


@functools.partial(
    pl.kernel,
    out_type=jax.ShapeDtypeStruct((NW, N_PAD), jnp.float32),
    mesh=_mesh,
    compiler_params=_cp,
    scratch_types=[
        pltpu.VMEM((2, EDGES_WIN), jnp.int32),
        pltpu.VMEM((N_PAD,), jnp.float32),
    ],
)
def _sc_degree(ei_hbm, degp_hbm, edge_b, hist):
    cid = lax.axis_index("c")
    sid = lax.axis_index("s")
    wid = cid * NS + sid
    base = wid * EDGES_MAIN

    @plsc.parallel_loop(0, N_PAD // LANES, unroll=4)
    def _(m):
        hist[pl.ds(m * LANES, LANES)] = jnp.zeros((LANES,), jnp.float32)

    pltpu.sync_copy(ei_hbm.at[:, pl.ds(base, EDGES_WIN)], edge_b)

    ones = jnp.ones((LANES,), jnp.float32)

    def body(off):
        s16 = edge_b[0, pl.ds(off, LANES)]
        d16 = edge_b[1, pl.ds(off, LANES)]
        plsc.addupdate_scatter(hist, [d16], ones, mask=s16 != d16)

    @plsc.parallel_loop(0, GROUPS, unroll=UNROLL)
    def _(g):
        body(g * LANES)

    @pl.when(wid == NW - 1)
    def _():
        @pl.loop(0, TAIL_GROUPS)
        def _(g):
            body(EDGES_MAIN + g * LANES)

    pltpu.sync_copy(hist, degp_hbm.at[wid])


@functools.partial(
    pl.kernel,
    out_type=jax.ShapeDtypeStruct((NW, N_PAD), jnp.float32),
    mesh=_mesh,
    compiler_params=_cp,
    scratch_types=[
        pltpu.VMEM((2, EDGES_WIN), jnp.int32),
        pltpu.VMEM((N_PAD,), jnp.float32),
        pltpu.VMEM((N_PAD,), jnp.float32),
    ],
)
def _sc_tsum(ei_hbm, dinv_hbm, tp_hbm, edge_b, dinv_b, hist):
    cid = lax.axis_index("c")
    sid = lax.axis_index("s")
    wid = cid * NS + sid
    base = wid * EDGES_MAIN

    @plsc.parallel_loop(0, N_PAD // LANES, unroll=4)
    def _(m):
        hist[pl.ds(m * LANES, LANES)] = jnp.zeros((LANES,), jnp.float32)

    pltpu.sync_copy(ei_hbm.at[:, pl.ds(base, EDGES_WIN)], edge_b)
    pltpu.sync_copy(dinv_hbm, dinv_b)

    def body(off):
        s16 = edge_b[0, pl.ds(off, LANES)]
        d16 = edge_b[1, pl.ds(off, LANES)]
        gv = plsc.load_gather(dinv_b, [d16])
        plsc.addupdate_scatter(hist, [s16], gv, mask=s16 != d16)

    @plsc.parallel_loop(0, GROUPS, unroll=UNROLL)
    def _(g):
        body(g * LANES)

    @pl.when(wid == NW - 1)
    def _():
        @pl.loop(0, TAIL_GROUPS)
        def _(g):
            body(EDGES_MAIN + g * LANES)

    pltpu.sync_copy(hist, tp_hbm.at[wid])


def _mm0_body(g_ref, w_ref, o_ref):
    o_ref[...] = lax.dot_general(g_ref[...], w_ref[...],
                                 (((1,), (1,)), ((), ())),
                                 preferred_element_type=jnp.float32)


def _dinv_body(degp_ref, o_ref):
    deg = jnp.sum(degp_ref[...], axis=0) + 1.0
    o_ref[0, :] = lax.rsqrt(deg)


def _dense_body(x1_ref, dinv_ref, tp_ref, w1_ref, b0_ref, b1_ref, o_ref):
    dv = dinv_ref[...]
    t = jnp.sum(tp_ref[...], axis=0, keepdims=True)
    s_full = dv * (t + dv)
    s_row = s_full[:, :N_NODES]
    s = lax.transpose(s_row, (1, 0))
    x1 = x1_ref[...]
    inv_n = 1.0 / N_NODES
    mean_xs = lax.dot_general(s_row, x1, (((1,), (0,)), ((), ())),
                              preferred_element_type=jnp.float32) * inv_n
    ex2 = lax.dot_general(s_row * s_row, x1 * x1, (((1,), (0,)), ((), ())),
                          preferred_element_type=jnp.float32) * inv_n
    v = ex2 - mean_xs * mean_xs
    h = jnp.maximum((x1 * s - mean_xs) * lax.rsqrt(v + 1e-5), 0.0)
    y = lax.dot_general(h, w1_ref[...],
                        (((1,), (1,)), ((), ())),
                        preferred_element_type=jnp.float32)
    o_ref[...] = y * s + b1_ref[...]


def kernel(graph_node, edge_index, W0, b0, W1, b1):
    degp = _sc_degree(edge_index)

    x1 = pl.pallas_call(
        _mm0_body,
        out_shape=jax.ShapeDtypeStruct((N_NODES, D), jnp.float32),
    )(graph_node, W0)

    dinv = pl.pallas_call(
        _dinv_body,
        out_shape=jax.ShapeDtypeStruct((1, N_PAD), jnp.float32),
    )(degp)

    tp = _sc_tsum(edge_index, dinv.reshape(N_PAD))

    out = pl.pallas_call(
        _dense_body,
        out_shape=jax.ShapeDtypeStruct((N_NODES, D), jnp.float32),
    )(x1, dinv, tp, W1, b0[None, :], b1[None, :])
    return out

# --- scband reference (transcript-rebuilt; emitter-appended) ---
"""Pipeline reference for scband-mpnn-63436666962551 (READ-ONLY COPY).

The authoritative reference and input builder live on the scoring server;
editing this copy changes nothing except your own understanding.
"""

import jax, jax.numpy as jnp
import numpy as np

N_NODES = 10000
N_EDGES = 320000
D_IN = 128
D_HID = 128
D_OUT = 128


def _process_edges(edge_index, num_nodes):
    # remove_self_loops then add_self_loops (fixed-shape: masked instead of filtered)
    src = edge_index[0]
    dst = edge_index[1]
    keep = (src != dst)
    loop = jnp.arange(num_nodes, dtype=src.dtype)
    src = jnp.concatenate([src, loop])
    dst = jnp.concatenate([dst, loop])
    w = jnp.concatenate([keep.astype(jnp.float32),
                         jnp.ones((num_nodes,), dtype=jnp.float32)])
    return src, dst, w


def gcn_conv(h, src, dst, w):
    N = h.shape[0]
    # degree of dst nodes (after self-loop addition); masked edges contribute 0
    deg = jnp.zeros((N,), h.dtype).at[dst].add(w.astype(h.dtype))
    dinv = deg ** -0.5
    dinv = jnp.where(jnp.isinf(dinv), 0.0, dinv)
    edge_weight = dinv[src] * dinv[dst] * w.astype(h.dtype)
    # faithful to original code: gather at rows(=src), scatter-add back to rows(=src)
    edge_msg = h[src, :] * edge_weight[:, None]
    h_prime = jnp.zeros_like(h).at[src].add(edge_msg)
    return h_prime


def setup_inputs(seed: int = 0) -> dict:
    key = jax.random.key(seed)
    k1, k2, k3, k4, k5, k6 = jax.random.split(key, 6)
    graph_node = jax.random.normal(k1, (N_NODES, D_IN), dtype=jnp.float32)
    edge_index = jax.random.randint(k2, (2, N_EDGES), 0, N_NODES, dtype=jnp.int32)
    # Xavier-uniform-ish linear weights (torch nn.Linear stores weight as [out, in])
    lim0 = 1.414 * np.sqrt(6.0 / (D_IN + D_HID))
    lim1 = 1.414 * np.sqrt(6.0 / (D_HID + D_OUT))
    W0 = jax.random.uniform(k3, (D_HID, D_IN), minval=-lim0, maxval=lim0, dtype=jnp.float32)
    b0 = jnp.zeros((D_HID,), dtype=jnp.float32)
    W1 = jax.random.uniform(k4, (D_OUT, D_HID), minval=-lim1, maxval=lim1, dtype=jnp.float32)
    b1 = jnp.zeros((D_OUT,), dtype=jnp.float32)
    return {"graph_node": graph_node, "edge_index": edge_index, "W0": W0, "b0": b0, "W1": W1, "b1": b1}


def reference(graph_node, edge_index, W0, b0, W1, b1):
    src, dst, w = _process_edges(edge_index, graph_node.shape[0])
    # layer 0 (loop body, num_layers=2 -> one iteration)
    x = graph_node @ W0.T
    x = gcn_conv(x, src, dst, w)
    x = x + b0
    # BatchNorm1d(affine=False, track_running_stats=False): batch stats, biased var, eps=1e-5
    mean = jnp.mean(x, axis=0, keepdims=True)
    var = jnp.var(x, axis=0, keepdims=True)
    x = (x - mean) / jnp.sqrt(var + 1e-5)
    x = jax.nn.relu(x)
    # dropout p=0.0 / eval mode -> identity
    # final layer
    x = x @ W1.T
    x = gcn_conv(x, src, dst, w)
    x = x + b1
    return x

if __name__ == "__main__":
    import jax
    _d = setup_inputs()
    print(jax.jit(kernel)(*tuple(_d.values())))

</pallas_src>

<mosaic_0001>
#map = affine_map<(d0, d1) -> (0, 0)>
module attributes {stable_mosaic.version = 14 : i64} {
  func.func @_sc_degree(%arg0: i32, %arg1: i32, %arg2: memref<2x320000xi32, #tpu.memory_space<hbm>>, %arg3: memref<32x10240xf32, #tpu.memory_space<hbm>>, %arg4: memref<2x10496xi32, #tpu.memory_space<vmem>>, %arg5: memref<10240xf32, #tpu.memory_space<vmem>>) attributes {dimension_semantics = [#tpu.dimension_semantics<core_parallel>, #tpu.dimension_semantics<subcore_parallel>], iteration_bounds = array<i64: 2, 16>, scalar_prefetch = 0 : i64, scratch_operands = 2 : i64, tpu.core_type = #tpu.core_type<sc_vector_subcore>, window_params = [{transform_indices = #map}, {transform_indices = #map}]} {
    %mul3A = arith.constant 16 : i32
    %mul3A_0 = arith.muli %arg0, %mul3A : i32
    %add3A = arith.addi %mul3A_0, %arg1 : i32
    %mul3A_1 = arith.constant 9984 : i32
    %mul3A_2 = arith.muli %add3A, %mul3A_1 : i32
    %parallel_loop3A = arith.constant 0 : i32
    %parallel_loop3A_3 = arith.constant 640 : i32
    %parallel_loop3A_4 = arith.constant 1 : i32
    scf.for %parallel_loop3A_11 = %parallel_loop3A to %parallel_loop3A_3 step %parallel_loop3A_4  : i32 {
      %parallel_loop3A_12 = arith.constant 0.000000e+00 : f32
      %parallel_loop3A_13 = vector.broadcast %parallel_loop3A_12 : f32 to vector<16xf32>
      %parallel_loop3A_14 = arith.constant 16 : i32
      %parallel_loop3A_15 = arith.muli %parallel_loop3A_11, %parallel_loop3A_14 : i32
      %parallel_loop3A_16 = arith.index_cast %parallel_loop3A_15 : i32 to index
      %parallel_loop3A_17 = tpu.vector_load %arg5[%parallel_loop3A_16] {strides = array<i32>} : memref<10240xf32, #tpu.memory_space<vmem>>, vector<16xf32>,
      tpu.vector_store %arg5[%parallel_loop3A_16], %parallel_loop3A_13 {strides = array<i32>} : memref<10240xf32, #tpu.memory_space<vmem>>, vector<16xf32>,
    } {sc.loop_unroll_factor = 4 : i64, sc.parallel_access}
    "tpu.region"() ({
      %run_scoped3A = tpu.sem_alloc : memref<!tpu.dma_semaphore, #tpu.memory_space<semaphore_mem>>
      %dma_start3A = arith.constant 0 : i32
      %dma_start3A_11 = tpu.memref_slice %arg2[%dma_start3A, %mul3A_2] : memref<2x320000xi32, #tpu.memory_space<hbm>> -> memref<2x10496xi32, #tpu.memory_space<hbm>>
      %dma_start3A_12 = arith.constant 0 : i32
      %dma_start3A_13 = tpu.memref_slice %arg2[%dma_start3A_12, %mul3A_2] : memref<2x320000xi32, #tpu.memory_space<hbm>> -> memref<2x10496xi32, #tpu.memory_space<hbm>>
      tpu.enqueue_dma source(%dma_start3A_13 : memref<2x10496xi32, #tpu.memory_space<hbm>>) target(%arg4 : memref<2x10496xi32, #tpu.memory_space<vmem>>) target_semaphore(%run_scoped3A : memref<!tpu.dma_semaphore, #tpu.memory_space<semaphore_mem>>)
      %dma_wait3A = arith.constant 0 : i32
      %dma_wait3A_14 = tpu.memref_slice %arg2[%dma_wait3A, %mul3A_2] : memref<2x320000xi32, #tpu.memory_space<hbm>> -> memref<2x10496xi32, #tpu.memory_space<hbm>>
      %dma_wait3A_15 = arith.constant 0 : i32
      %dma_wait3A_16 = tpu.memref_slice %arg2[%dma_wait3A_15, %mul3A_2] : memref<2x320000xi32, #tpu.memory_space<hbm>> -> memref<2x10496xi32, #tpu.memory_space<hbm>>
      tpu.wait_dma2 semaphore(%run_scoped3A : memref<!tpu.dma_semaphore, #tpu.memory_space<semaphore_mem>>) src(%dma_wait3A_16 : memref<2x10496xi32, #tpu.memory_space<hbm>>) dst(%arg4 : memref<2x10496xi32, #tpu.memory_space<vmem>>)
      tpu.yield
    }) : () -> ()
    %broadcast_in_dim3A = arith.constant 1.000000e+00 : f32
    %broadcast_in_dim3A_5 = vector.broadcast %broadcast_in_dim3A : f32 to vector<16xf32>
    %parallel_loop3A_6 = arith.constant 0 : i32
    %parallel_loop3A_7 = arith.constant 624 : i32
    %parallel_loop3A_8 = arith.constant 1 : i32
    scf.for %parallel_loop3A_11 = %parallel_loop3A_6 to %parallel_loop3A_7 step %parallel_loop3A_8  : i32 {
      %parallel_loop3A_12 = arith.constant 16 : i32
      %parallel_loop3A_13 = arith.muli %parallel_loop3A_11, %parallel_loop3A_12 : i32
      %parallel_loop3A_14 = arith.constant 0 : i32
      %parallel_loop3A_15 = arith.index_cast %parallel_loop3A_14 : i32 to index
      %parallel_loop3A_16 = arith.index_cast %parallel_loop3A_13 : i32 to index
      %parallel_loop3A_17 = tpu.vector_load %arg4[%parallel_loop3A_15, %parallel_loop3A_16] {strides = array<i32>} : memref<2x10496xi32, #tpu.memory_space<vmem>>, vector<16xi32>,
      %parallel_loop3A_18 = arith.constant 1 : i32
      %parallel_loop3A_19 = arith.index_cast %parallel_loop3A_18 : i32 to index
      %parallel_loop3A_20 = arith.index_cast %parallel_loop3A_13 : i32 to index
      %parallel_loop3A_21 = tpu.vector_load %arg4[%parallel_loop3A_19, %parallel_loop3A_20] {strides = array<i32>} : memref<2x10496xi32, #tpu.memory_space<vmem>>, vector<16xi32>,
      %parallel_loop3A_22 = arith.cmpi ne, %parallel_loop3A_17, %parallel_loop3A_21 : vector<16xi32>
      tpu.vector_store_idx %arg5[%parallel_loop3A_21], %broadcast_in_dim3A_5 masked %parallel_loop3A_22 {add = true} : memref<10240xf32, #tpu.memory_space<vmem>>[vector<16xi32>], vector<16xf32>, vector<16xi1>
    } {sc.loop_unroll_factor = 8 : i64, sc.parallel_access}
    %eq3A = arith.constant 31 : i32
    %eq3A_9 = arith.cmpi eq, %add3A, %eq3A : i32
    %convert_element_type3A = arith.extui %eq3A_9 : i1 to i32
    %cond3A = arith.constant 0 : i32
    %cond3A_10 = arith.cmpi ne, %convert_element_type3A, %cond3A : i32
    scf.if %cond3A_10 {
      %scan3A = arith.constant 0 : i32
      %scan3A_11 = arith.constant 32 : i32
      %scan3A_12 = arith.addi %scan3A, %scan3A_11 : i32
      %scan3A_13 = arith.constant 1 : i32
      scf.for %scan3A_15 = %scan3A to %scan3A_12 step %scan3A_13  : i32 {
        %mul3A_16 = arith.constant 1 : i32
        %mul3A_17 = arith.muli %scan3A_15, %mul3A_16 : i32
        %add3A_18 = arith.constant 0 : i32
        %add3A_19 = arith.addi %add3A_18, %mul3A_17 : i32
        %mul3A_20 = arith.constant 16 : i32
        %mul3A_21 = arith.muli %add3A_19, %mul3A_20 : i32
        %add3A_22 = arith.constant 9984 : i32
        %add3A_23 = arith.addi %add3A_22, %mul3A_21 : i32
        %get3A = arith.constant 0 : i32
        %get3A_24 = arith.index_cast %get3A : i32 to index
        %get3A_25 = arith.index_cast %add3A_23 : i32 to index
        %get3A_26 = tpu.vector_load %arg4[%get3A_24, %get3A_25] {strides = array<i32>} : memref<2x10496xi32, #tpu.memory_space<vmem>>, vector<16xi32>,
        %get3A_27 = arith.constant 1 : i32
        %get3A_28 = arith.index_cast %get3A_27 : i32 to index
        %get3A_29 = arith.index_cast %add3A_23 : i32 to index
        %get3A_30 = tpu.vector_load %arg4[%get3A_28, %get3A_29] {strides = array<i32>} : memref<2x10496xi32, #tpu.memory_space<vmem>>, vector<16xi32>,
        %ne3A = arith.cmpi ne, %get3A_26, %get3A_30 : vector<16xi32>
        tpu.vector_store_idx %arg5[%get3A_30], %broadcast_in_dim3A_5 masked %ne3A {add = true} : memref<10240xf32, #tpu.memory_space<vmem>>[vector<16xi32>], vector<16xf32>, vector<16xi1>
      }
      %scan3A_14 = arith.constant 32 : i32
    } else {
    }
    "tpu.region"() ({
      %run_scoped3A = tpu.sem_alloc : memref<!tpu.dma_semaphore, #tpu.memory_space<semaphore_mem>>
      %dma_start3A = arith.constant 0 : i32
      %dma_start3A_11 = tpu.memref_slice %arg3[%add3A, %dma_start3A] : memref<32x10240xf32, #tpu.memory_space<hbm>> -> memref<1x10240xf32, #tpu.memory_space<hbm>>
      %dma_start3A_12 = tpu.memref_squeeze %dma_start3A_11 : memref<1x10240xf32, #tpu.memory_space<hbm>> -> memref<10240xf32, #tpu.memory_space<hbm>>
      %dma_start3A_13 = arith.constant 0 : i32
      %dma_start3A_14 = tpu.memref_slice %arg3[%add3A, %dma_start3A_13] : memref<32x10240xf32, #tpu.memory_space<hbm>> -> memref<1x10240xf32, #tpu.memory_space<hbm>>
      %dma_start3A_15 = tpu.memref_squeeze %dma_start3A_14 : memref<1x10240xf32, #tpu.memory_space<hbm>> -> memref<10240xf32, #tpu.memory_space<hbm>>
      tpu.enqueue_dma source(%arg5 : memref<10240xf32, #tpu.memory_space<vmem>>) target(%dma_start3A_15 : memref<10240xf32, #tpu.memory_space<hbm>>) target_semaphore(%run_scoped3A : memref<!tpu.dma_semaphore, #tpu.memory_space<semaphore_mem>>)
      %dma_wait3A = arith.constant 0 : i32
      %dma_wait3A_16 = tpu.memref_slice %arg3[%add3A, %dma_wait3A] : memref<32x10240xf32, #tpu.memory_space<hbm>> -> memref<1x10240xf32, #tpu.memory_space<hbm>>
      %dma_wait3A_17 = tpu.memref_squeeze %dma_wait3A_16 : memref<1x10240xf32, #tpu.memory_space<hbm>> -> memref<10240xf32, #tpu.memory_space<hbm>>
      %dma_wait3A_18 = arith.constant 0 : i32
      %dma_wait3A_19 = tpu.memref_slice %arg3[%add3A, %dma_wait3A_18] : memref<32x10240xf32, #tpu.memory_space<hbm>> -> memref<1x10240xf32, #tpu.memory_space<hbm>>
      %dma_wait3A_20 = tpu.memref_squeeze %dma_wait3A_19 : memref<1x10240xf32, #tpu.memory_space<hbm>> -> memref<10240xf32, #tpu.memory_space<hbm>>
      tpu.wait_dma2 semaphore(%run_scoped3A : memref<!tpu.dma_semaphore, #tpu.memory_space<semaphore_mem>>) src(%arg5 : memref<10240xf32, #tpu.memory_space<vmem>>) dst(%dma_wait3A_20 : memref<10240xf32, #tpu.memory_space<hbm>>)
      tpu.yield
    }) : () -> ()
    return
  }
}

#map = affine_map<(d0, d1) -> (0, 0)>
#map1 = affine_map<(d0, d1) -> (0)>
module attributes {stable_mosaic.version = 14 : i64} {
  func.func @_sc_tsum(%arg0: i32, %arg1: i32, %arg2: memref<2x320000xi32, #tpu.memory_space<hbm>>, %arg3: memref<10240xf32, #tpu.memory_space<hbm>>, %arg4: memref<32x10240xf32, #tpu.memory_space<hbm>>, %arg5: memref<2x10496xi32, #tpu.memory_space<vmem>>, %arg6: memref<10240xf32, #tpu.memory_space<vmem>>, %arg7: memref<10240xf32, #tpu.memory_space<vmem>>) attributes {dimension_semantics = [#tpu.dimension_semantics<core_parallel>, #tpu.dimension_semantics<subcore_parallel>], iteration_bounds = array<i64: 2, 16>, scalar_prefetch = 0 : i64, scratch_operands = 3 : i64, tpu.core_type = #tpu.core_type<sc_vector_subcore>, window_params = [{transform_indices = #map}, {transform_indices = #map1}, {transform_indices = #map}]} {
    %mul3A = arith.constant 16 : i32
    %mul3A_0 = arith.muli %arg0, %mul3A : i32
    %add3A = arith.addi %mul3A_0, %arg1 : i32
    %mul3A_1 = arith.constant 9984 : i32
    %mul3A_2 = arith.muli %add3A, %mul3A_1 : i32
    %parallel_loop3A = arith.constant 0 : i32
    %parallel_loop3A_3 = arith.constant 640 : i32
    %parallel_loop3A_4 = arith.constant 1 : i32
    scf.for %parallel_loop3A_10 = %parallel_loop3A to %parallel_loop3A_3 step %parallel_loop3A_4  : i32 {
      %parallel_loop3A_11 = arith.constant 0.000000e+00 : f32
      %parallel_loop3A_12 = vector.broadcast %parallel_loop3A_11 : f32 to vector<16xf32>
      %parallel_loop3A_13 = arith.constant 16 : i32
      %parallel_loop3A_14 = arith.muli %parallel_loop3A_10, %parallel_loop3A_13 : i32
      %parallel_loop3A_15 = arith.index_cast %parallel_loop3A_14 : i32 to index
      %parallel_loop3A_16 = tpu.vector_load %arg7[%parallel_loop3A_15] {strides = array<i32>} : memref<10240xf32, #tpu.memory_space<vmem>>, vector<16xf32>,
      tpu.vector_store %arg7[%parallel_loop3A_15], %parallel_loop3A_12 {strides = array<i32>} : memref<10240xf32, #tpu.memory_space<vmem>>, vector<16xf32>,
    } {sc.loop_unroll_factor = 4 : i64, sc.parallel_access}
    "tpu.region"() ({
      %run_scoped3A = tpu.sem_alloc : memref<!tpu.dma_semaphore, #tpu.memory_space<semaphore_mem>>
      %dma_start3A = arith.constant 0 : i32
      %dma_start3A_10 = tpu.memref_slice %arg2[%dma_start3A, %mul3A_2] : memref<2x320000xi32, #tpu.memory_space<hbm>> -> memref<2x10496xi32, #tpu.memory_space<hbm>>
      %dma_start3A_11 = arith.constant 0 : i32
      %dma_start3A_12 = tpu.memref_slice %arg2[%dma_start3A_11, %mul3A_2] : memref<2x320000xi32, #tpu.memory_space<hbm>> -> memref<2x10496xi32, #tpu.memory_space<hbm>>
      tpu.enqueue_dma source(%dma_start3A_12 : memref<2x10496xi32, #tpu.memory_space<hbm>>) target(%arg5 : memref<2x10496xi32, #tpu.memory_space<vmem>>) target_semaphore(%run_scoped3A : memref<!tpu.dma_semaphore, #tpu.memory_space<semaphore_mem>>)
      %dma_wait3A = arith.constant 0 : i32
      %dma_wait3A_13 = tpu.memref_slice %arg2[%dma_wait3A, %mul3A_2] : memref<2x320000xi32, #tpu.memory_space<hbm>> -> memref<2x10496xi32, #tpu.memory_space<hbm>>
      %dma_wait3A_14 = arith.constant 0 : i32
      %dma_wait3A_15 = tpu.memref_slice %arg2[%dma_wait3A_14, %mul3A_2] : memref<2x320000xi32, #tpu.memory_space<hbm>> -> memref<2x10496xi32, #tpu.memory_space<hbm>>
      tpu.wait_dma2 semaphore(%run_scoped3A : memref<!tpu.dma_semaphore, #tpu.memory_space<semaphore_mem>>) src(%dma_wait3A_15 : memref<2x10496xi32, #tpu.memory_space<hbm>>) dst(%arg5 : memref<2x10496xi32, #tpu.memory_space<vmem>>)
      tpu.yield
    }) : () -> ()
    "tpu.region"() ({
      %run_scoped3A = tpu.sem_alloc : memref<!tpu.dma_semaphore, #tpu.memory_space<semaphore_mem>>
      tpu.enqueue_dma source(%arg3 : memref<10240xf32, #tpu.memory_space<hbm>>) target(%arg6 : memref<10240xf32, #tpu.memory_space<vmem>>) target_semaphore(%run_scoped3A : memref<!tpu.dma_semaphore, #tpu.memory_space<semaphore_mem>>)
      tpu.wait_dma2 semaphore(%run_scoped3A : memref<!tpu.dma_semaphore, #tpu.memory_space<semaphore_mem>>) src(%arg3 : memref<10240xf32, #tpu.memory_space<hbm>>) dst(%arg6 : memref<10240xf32, #tpu.memory_space<vmem>>)
      tpu.yield
    }) : () -> ()
    %parallel_loop3A_5 = arith.constant 0 : i32
    %parallel_loop3A_6 = arith.constant 624 : i32
    %parallel_loop3A_7 = arith.constant 1 : i32
    scf.for %parallel_loop3A_10 = %parallel_loop3A_5 to %parallel_loop3A_6 step %parallel_loop3A_7  : i32 {
      %parallel_loop3A_11 = arith.constant 16 : i32
      %parallel_loop3A_12 = arith.muli %parallel_loop3A_10, %parallel_loop3A_11 : i32
      %parallel_loop3A_13 = arith.constant 0 : i32
      %parallel_loop3A_14 = arith.index_cast %parallel_loop3A_13 : i32 to index
      %parallel_loop3A_15 = arith.index_cast %parallel_loop3A_12 : i32 to index
      %parallel_loop3A_16 = tpu.vector_load %arg5[%parallel_loop3A_14, %parallel_loop3A_15] {strides = array<i32>} : memref<2x10496xi32, #tpu.memory_space<vmem>>, vector<16xi32>,
      %parallel_loop3A_17 = arith.constant 1 : i32
      %parallel_loop3A_18 = arith.index_cast %parallel_loop3A_17 : i32 to index
      %parallel_loop3A_19 = arith.index_cast %parallel_loop3A_12 : i32 to index
      %parallel_loop3A_20 = tpu.vector_load %arg5[%parallel_loop3A_18, %parallel_loop3A_19] {strides = array<i32>} : memref<2x10496xi32, #tpu.memory_space<vmem>>, vector<16xi32>,
      %parallel_loop3A_21 = tpu.vector_load_idx %arg6[%parallel_loop3A_20] : memref<10240xf32, #tpu.memory_space<vmem>>[vector<16xi32>], vector<16xf32>,
      %parallel_loop3A_22 = arith.cmpi ne, %parallel_loop3A_16, %parallel_loop3A_20 : vector<16xi32>
      tpu.vector_store_idx %arg7[%parallel_loop3A_16], %parallel_loop3A_21 masked %parallel_loop3A_22 {add = true} : memref<10240xf32, #tpu.memory_space<vmem>>[vector<16xi32>], vector<16xf32>, vector<16xi1>
    } {sc.loop_unroll_factor = 8 : i64, sc.parallel_access}
    %eq3A = arith.constant 31 : i32
    %eq3A_8 = arith.cmpi eq, %add3A, %eq3A : i32
    %convert_element_type3A = arith.extui %eq3A_8 : i1 to i32
    %cond3A = arith.constant 0 : i32
    %cond3A_9 = arith.cmpi ne, %convert_element_type3A, %cond3A : i32
    scf.if %cond3A_9 {
      %scan3A = arith.constant 0 : i32
      %scan3A_10 = arith.constant 32 : i32
      %scan3A_11 = arith.addi %scan3A, %scan3A_10 : i32
      %scan3A_12 = arith.constant 1 : i32
      scf.for %scan3A_14 = %scan3A to %scan3A_11 step %scan3A_12  : i32 {
        %mul3A_15 = arith.constant 1 : i32
        %mul3A_16 = arith.muli %scan3A_14, %mul3A_15 : i32
        %add3A_17 = arith.constant 0 : i32
        %add3A_18 = arith.addi %add3A_17, %mul3A_16 : i32
        %mul3A_19 = arith.constant 16 : i32
        %mul3A_20 = arith.muli %add3A_18, %mul3A_19 : i32
        %add3A_21 = arith.constant 9984 : i32
        %add3A_22 = arith.addi %add3A_21, %mul3A_20 : i32
        %get3A = arith.constant 0 : i32
        %get3A_23 = arith.index_cast %get3A : i32 to index
        %get3A_24 = arith.index_cast %add3A_22 : i32 to index
        %get3A_25 = tpu.vector_load %arg5[%get3A_23, %get3A_24] {strides = array<i32>} : memref<2x10496xi32, #tpu.memory_space<vmem>>, vector<16xi32>,
        %get3A_26 = arith.constant 1 : i32
        %get3A_27 = arith.index_cast %get3A_26 : i32 to index
        %get3A_28 = arith.index_cast %add3A_22 : i32 to index
        %get3A_29 = tpu.vector_load %arg5[%get3A_27, %get3A_28] {strides = array<i32>} : memref<2x10496xi32, #tpu.memory_space<vmem>>, vector<16xi32>,
        %gather3A = tpu.vector_load_idx %arg6[%get3A_29] : memref<10240xf32, #tpu.memory_space<vmem>>[vector<16xi32>], vector<16xf32>,
        %ne3A = arith.cmpi ne, %get3A_25, %get3A_29 : vector<16xi32>
        tpu.vector_store_idx %arg7[%get3A_25], %gather3A masked %ne3A {add = true} : memref<10240xf32, #tpu.memory_space<vmem>>[vector<16xi32>], vector<16xf32>, vector<16xi1>
      }
      %scan3A_13 = arith.constant 32 : i32
    } else {
    }
    "tpu.region"() ({
      %run_scoped3A = tpu.sem_alloc : memref<!tpu.dma_semaphore, #tpu.memory_space<semaphore_mem>>
      %dma_start3A = arith.constant 0 : i32
      %dma_start3A_10 = tpu.memref_slice %arg4[%add3A, %dma_start3A] : memref<32x10240xf32, #tpu.memory_space<hbm>> -> memref<1x10240xf32, #tpu.memory_space<hbm>>
      %dma_start3A_11 = tpu.memref_squeeze %dma_start3A_10 : memref<1x10240xf32, #tpu.memory_space<hbm>> -> memref<10240xf32, #tpu.memory_space<hbm>>
      %dma_start3A_12 = arith.constant 0 : i32
      %dma_start3A_13 = tpu.memref_slice %arg4[%add3A, %dma_start3A_12] : memref<32x10240xf32, #tpu.memory_space<hbm>> -> memref<1x10240xf32, #tpu.memory_space<hbm>>
      %dma_start3A_14 = tpu.memref_squeeze %dma_start3A_13 : memref<1x10240xf32, #tpu.memory_space<hbm>> -> memref<10240xf32, #tpu.memory_space<hbm>>
      tpu.enqueue_dma source(%arg7 : memref<10240xf32, #tpu.memory_space<vmem>>) target(%dma_start3A_14 : memref<10240xf32, #tpu.memory_space<hbm>>) target_semaphore(%run_scoped3A : memref<!tpu.dma_semaphore, #tpu.memory_space<semaphore_mem>>)
      %dma_wait3A = arith.constant 0 : i32
      %dma_wait3A_15 = tpu.memref_slice %arg4[%add3A, %dma_wait3A] : memref<32x10240xf32, #tpu.memory_space<hbm>> -> memref<1x10240xf32, #tpu.memory_space<hbm>>
      %dma_wait3A_16 = tpu.memref_squeeze %dma_wait3A_15 : memref<1x10240xf32, #tpu.memory_space<hbm>> -> memref<10240xf32, #tpu.memory_space<hbm>>
      %dma_wait3A_17 = arith.constant 0 : i32
      %dma_wait3A_18 = tpu.memref_slice %arg4[%add3A, %dma_wait3A_17] : memref<32x10240xf32, #tpu.memory_space<hbm>> -> memref<1x10240xf32, #tpu.memory_space<hbm>>
      %dma_wait3A_19 = tpu.memref_squeeze %dma_wait3A_18 : memref<1x10240xf32, #tpu.memory_space<hbm>> -> memref<10240xf32, #tpu.memory_space<hbm>>
      tpu.wait_dma2 semaphore(%run_scoped3A : memref<!tpu.dma_semaphore, #tpu.memory_space<semaphore_mem>>) src(%arg7 : memref<10240xf32, #tpu.memory_space<vmem>>) dst(%dma_wait3A_19 : memref<10240xf32, #tpu.memory_space<hbm>>)
      tpu.yield
    }) : () -> ()
    return
  }
}

module attributes {stable_mosaic.version = 14 : i64} {
  func.func @_dinv_body(%arg0: memref<32x10240xf32, #tpu.memory_space<vmem>>, %arg1: memref<1x10240xf32, #tpu.memory_space<vmem>>) attributes {dimension_semantics = [], scalar_prefetch = 0 : i64, scratch_operands = 0 : i64, tpu.core_type = #tpu.core_type<tc>} {
    %get3A = arith.constant 0 : index
    %get3A_0 = arith.constant 0 : index
    %get3A_1 = vector.load %arg0[%get3A, %get3A_0] : memref<32x10240xf32, #tpu.memory_space<vmem>>, vector<32x10240xf32>
    %reduce_sum3A = arith.constant dense<0.000000e+00> : vector<10240xf32>
    %reduce_sum3A_2 = vector.multi_reduction <add>, %get3A_1, %reduce_sum3A [0] : vector<32x10240xf32> to vector<10240xf32>
    %add3A = arith.constant 1.000000e+00 : f32
    %add3A_3 = vector.broadcast %add3A : f32 to vector<10240xf32>
    %add3A_4 = arith.addf %reduce_sum3A_2, %add3A_3 : vector<10240xf32>
    %rsqrt3A = math.rsqrt %add3A_4 : vector<10240xf32>
    %swap3A = arith.constant 0 : index
    %swap3A_5 = arith.constant 0 : index
    %swap3A_6 = vector.load %arg1[%swap3A, %swap3A_5] : memref<1x10240xf32, #tpu.memory_space<vmem>>, vector<1x10240xf32>
    %swap3A_7 = vector.shape_cast %swap3A_6 : vector<1x10240xf32> to vector<10240xf32>
    %swap3A_8 = vector.shape_cast %rsqrt3A : vector<10240xf32> to vector<1x10240xf32>
    tpu.vector_store %arg1[%swap3A, %swap3A_5], %swap3A_8 {strides = array<i32>} : memref<1x10240xf32, #tpu.memory_space<vmem>>, vector<1x10240xf32>,
    return
  }
}

module attributes {stable_mosaic.version = 14 : i64} {
  func.func @_mm0_body(%arg0: memref<10000x128xf32, #tpu.memory_space<vmem>>, %arg1: memref<128x128xf32, #tpu.memory_space<vmem>>, %arg2: memref<10000x128xf32, #tpu.memory_space<vmem>>) attributes {dimension_semantics = [], scalar_prefetch = 0 : i64, scratch_operands = 0 : i64, tpu.core_type = #tpu.core_type<tc>} {
    %get3A = arith.constant 0 : index
    %get3A_0 = arith.constant 0 : index
    %get3A_1 = vector.load %arg0[%get3A, %get3A_0] : memref<10000x128xf32, #tpu.memory_space<vmem>>, vector<10000x128xf32>
    %get3A_2 = arith.constant 0 : index
    %get3A_3 = arith.constant 0 : index
    %get3A_4 = vector.load %arg1[%get3A_2, %get3A_3] : memref<128x128xf32, #tpu.memory_space<vmem>>, vector<128x128xf32>
    %dot_general3A = arith.constant dense<0.000000e+00> : vector<10000x128xf32>
    %dot_general3A_5 = tpu.matmul %get3A_1, %get3A_4, %dot_general3A {dimension_numbers = #tpu.dot_dimension_numbers<[1], [1], [0], [0], [0, 0, 1, 0], [], []>, transpose_lhs_hint = false} : vector<10000x128xf32>, vector<128x128xf32>, vector<10000x128xf32> -> vector<10000x128xf32>
    %swap3A = arith.constant 0 : index
    %swap3A_6 = arith.constant 0 : index
    %swap3A_7 = vector.load %arg2[%swap3A, %swap3A_6] : memref<10000x128xf32, #tpu.memory_space<vmem>>, vector<10000x128xf32>
    tpu.vector_store %arg2[%swap3A, %swap3A_6], %dot_general3A_5 {strides = array<i32>} : memref<10000x128xf32, #tpu.memory_space<vmem>>, vector<10000x128xf32>,
    return
  }
}

module attributes {stable_mosaic.version = 14 : i64} {
  func.func @_dense_body(%arg0: memref<10000x128xf32, #tpu.memory_space<vmem>>, %arg1: memref<1x10240xf32, #tpu.memory_space<vmem>>, %arg2: memref<32x10240xf32, #tpu.memory_space<vmem>>, %arg3: memref<128x128xf32, #tpu.memory_space<vmem>>, %arg4: memref<1x128xf32, #tpu.memory_space<vmem>>, %arg5: memref<1x128xf32, #tpu.memory_space<vmem>>, %arg6: memref<10000x128xf32, #tpu.memory_space<vmem>>) attributes {dimension_semantics = [], scalar_prefetch = 0 : i64, scratch_operands = 0 : i64, tpu.core_type = #tpu.core_type<tc>} {
    %get3A = arith.constant 0 : index
    %get3A_0 = arith.constant 0 : index
    %get3A_1 = vector.load %arg1[%get3A, %get3A_0] : memref<1x10240xf32, #tpu.memory_space<vmem>>, vector<1x10240xf32>
    %get3A_2 = arith.constant 0 : index
    %get3A_3 = arith.constant 0 : index
    %get3A_4 = vector.load %arg2[%get3A_2, %get3A_3] : memref<32x10240xf32, #tpu.memory_space<vmem>>, vector<32x10240xf32>
    %reduce_sum3A = arith.constant dense<0.000000e+00> : vector<10240xf32>
    %reduce_sum3A_5 = vector.multi_reduction <add>, %get3A_4, %reduce_sum3A [0] : vector<32x10240xf32> to vector<10240xf32>
    %broadcast_in_dim3A = vector.shape_cast %reduce_sum3A_5 : vector<10240xf32> to vector<1x10240xf32>
    %add3A = arith.addf %broadcast_in_dim3A, %get3A_1 : vector<1x10240xf32>
    %mul3A = arith.mulf %get3A_1, %add3A : vector<1x10240xf32>
    %slice3A = vector.extract_strided_slice %mul3A {offsets = [0, 0], sizes = [1, 10000], strides = [1, 1]} : vector<1x10240xf32> to vector<1x10000xf32>
    %transpose3A = tpu.transpose %slice3A, [1, 0] : vector<1x10000xf32> -> vector<10000x1xf32>
    %get3A_6 = arith.constant 0 : index
    %get3A_7 = arith.constant 0 : index
    %get3A_8 = vector.load %arg0[%get3A_6, %get3A_7] : memref<10000x128xf32, #tpu.memory_space<vmem>>, vector<10000x128xf32>
    %dot_general3A = arith.constant dense<0.000000e+00> : vector<1x128xf32>
    %dot_general3A_9 = tpu.matmul %slice3A, %get3A_8, %dot_general3A {dimension_numbers = #tpu.dot_dimension_numbers<[1], [0], [0], [1], [0, 0, 1, 1], [], []>, transpose_lhs_hint = false} : vector<1x10000xf32>, vector<10000x128xf32>, vector<1x128xf32> -> vector<1x128xf32>
    %mul3A_10 = arith.constant 9.99999974E-5 : f32
    %mul3A_11 = vector.broadcast %mul3A_10 : f32 to vector<1x128xf32>
    %mul3A_12 = arith.mulf %dot_general3A_9, %mul3A_11 : vector<1x128xf32>
    %mul3A_13 = arith.mulf %slice3A, %slice3A : vector<1x10000xf32>
    %mul3A_14 = arith.mulf %get3A_8, %get3A_8 : vector<10000x128xf32>
    %dot_general3A_15 = arith.constant dense<0.000000e+00> : vector<1x128xf32>
    %dot_general3A_16 = tpu.matmul %mul3A_13, %mul3A_14, %dot_general3A_15 {dimension_numbers = #tpu.dot_dimension_numbers<[1], [0], [0], [1], [0, 0, 1, 1], [], []>, transpose_lhs_hint = false} : vector<1x10000xf32>, vector<10000x128xf32>, vector<1x128xf32> -> vector<1x128xf32>
    %mul3A_17 = arith.constant 9.99999974E-5 : f32
    %mul3A_18 = vector.broadcast %mul3A_17 : f32 to vector<1x128xf32>
    %mul3A_19 = arith.mulf %dot_general3A_16, %mul3A_18 : vector<1x128xf32>
    %mul3A_20 = arith.mulf %mul3A_12, %mul3A_12 : vector<1x128xf32>
    %sub3A = arith.subf %mul3A_19, %mul3A_20 : vector<1x128xf32>
    %mul3A_21 = vector.broadcast %transpose3A : vector<10000x1xf32> to vector<10000x128xf32>
    %mul3A_22 = arith.mulf %get3A_8, %mul3A_21 : vector<10000x128xf32>
    %sub3A_23 = vector.broadcast %mul3A_12 : vector<1x128xf32> to vector<10000x128xf32>
    %sub3A_24 = arith.subf %mul3A_22, %sub3A_23 : vector<10000x128xf32>
    %add3A_25 = arith.constant 9.99999974E-6 : f32
    %add3A_26 = vector.broadcast %add3A_25 : f32 to vector<1x128xf32>
    %add3A_27 = arith.addf %sub3A, %add3A_26 : vector<1x128xf32>
    %rsqrt3A = math.rsqrt %add3A_27 : vector<1x128xf32>
    %mul3A_28 = vector.broadcast %rsqrt3A : vector<1x128xf32> to vector<10000x128xf32>
    %mul3A_29 = arith.mulf %sub3A_24, %mul3A_28 : vector<10000x128xf32>
    %max3A = arith.constant 0.000000e+00 : f32
    %max3A_30 = vector.broadcast %max3A : f32 to vector<10000x128xf32>
    %max3A_31 = arith.maximumf %mul3A_29, %max3A_30 : vector<10000x128xf32>
    %get3A_32 = arith.constant 0 : index
    %get3A_33 = arith.constant 0 : index
    %get3A_34 = vector.load %arg3[%get3A_32, %get3A_33] : memref<128x128xf32, #tpu.memory_space<vmem>>, vector<128x128xf32>
    %dot_general3A_35 = arith.constant dense<0.000000e+00> : vector<10000x128xf32>
    %dot_general3A_36 = tpu.matmul %max3A_31, %get3A_34, %dot_general3A_35 {dimension_numbers = #tpu.dot_dimension_numbers<[1], [1], [0], [0], [0, 0, 1, 0], [], []>, transpose_lhs_hint = false} : vector<10000x128xf32>, vector<128x128xf32>, vector<10000x128xf32> -> vector<10000x128xf32>
    %mul3A_37 = vector.broadcast %transpose3A : vector<10000x1xf32> to vector<10000x128xf32>
    %mul3A_38 = arith.mulf %dot_general3A_36, %mul3A_37 : vector<10000x128xf32>
    %get3A_39 = arith.constant 0 : index
    %get3A_40 = arith.constant 0 : index
    %get3A_41 = vector.load %arg5[%get3A_39, %get3A_40] : memref<1x128xf32, #tpu.memory_space<vmem>>, vector<1x128xf32>
    %add3A_42 = vector.broadcast %get3A_41 : vector<1x128xf32> to vector<10000x128xf32>
    %add3A_43 = arith.addf %mul3A_38, %add3A_42 : vector<10000x128xf32>
    %swap3A = arith.constant 0 : index
    %swap3A_44 = arith.constant 0 : index
    %swap3A_45 = vector.load %arg6[%swap3A, %swap3A_44] : memref<10000x128xf32, #tpu.memory_space<vmem>>, vector<10000x128xf32>
    tpu.vector_store %arg6[%swap3A, %swap3A_44], %add3A_43 {strides = array<i32>} : memref<10000x128xf32, #tpu.memory_space<vmem>>, vector<10000x128xf32>,
    return
  }
}

</mosaic_0001>

<sc_bundles>
// kernel: kernel.10.cloned.1.call-start
scs
__scs_entry_jumppad:
0x0: {  	(pc) =	sbr.rel $0x88, $3  }
0x1: {  	(tag) =	ssettag $0x0;
	lr =	simm.s32 $0x1  }
0x2: {  	[smem:$0x3F9B] =	sst lr;
	_ =	strace $0xD0000000  }
0x3: {  	_ = 	snop  }
0x4: {  	_ = 	snop  }
0x5: {  	_ = 	snop  }
0x6: {  	_ = 	snop  }
0x7: {  	_ = 	snop  }
__scs_overlays_trampoline_lowered:
0x8: {  	[smem:$0x3FAA] =	sst s0  }
0x9: {  	[smem:$0x3FAB] =	sst s1  }
0xa: {  	[smem:$0x3FAC] =	sst s2  }
0xb: {  	[smem:$0x3FAD] =	sst s3  }
0xc: {  	[smem:$0x3FAE] =	sst s4  }
0xd: {  	[smem:$0x3FAF] =	sst s5  }
0xe: {  	[smem:$0x3FB0] =	sst s6  }
0xf: {  	[smem:$0x3FB1] =	sst s7  }
0x10: {  	[smem:$0x3FB2] =	sst s8  }
0x11: {  	[smem:$0x3FB3] =	sst s9;
	s0 =	simm.s32 @!p0 $0x0  }
0x12: {  	s1 =	sld [smem:$0x3F99];
	s0 =	simm.s32 @p0 $0x1  }
0x13: {  	[smem:$0x3FB4] =	sst s0;
	s0 =	simm.s32 @!p1 $0x0  }
0x14: {  	s2 =	sld [smem:$0x3F98];
	s0 =	simm.s32 @p1 $0x1  }
0x15: {  	[smem:$0x3FB5] =	sst s0;
	s0 =	simm.s32 @!p2 $0x0  }
0x16: {  	s3 =	sld [smem:$0x3FDB];
	s0 =	simm.s32 @p2 $0x1  }
0x17: {  	s4 =	simm.s32 $0x1BF5;
	[smem:$0x3FB7] =	sst s0  }
0x18: {  	s0 =	sld [smem:$0x3F9A];
	_ =	swait.ge [sflag:s4], $0x0  }
0x19: {  	s7 =	sld [smem:$0x3F9B]  }
0x1a: {  	s8 =	sadd.s32 $0xFFFFE003, lr  }
0x1b: {  	s9 =	sadd.s32 $0xFFFFFEF7, lr;
	s5 =	simm.s32 $0xFFFFFFFF;
	p2 =	slt.u32 s8, $0xFFFFF086  }
0x1c: {  	p1 =	slt.u32 s9, $0xF7A;
	s5 =	simm.s32 @!p2 $0x0  }
0x1d: {  	s5 =	simm.s32 @p1 $0x1;
	p0 =	seq.s32 s7, s2  }
0x1e: {  	s7 =	smul.u32 @!p0 $0xF7A, s2;
	p2 =	seq.s32 @!p0 s5, $0x0  }
0x1f: {  	s9 =	smul.u32 $0xF7A, s1;
	s8 =	simm.s32 @!p0 $0x1BF5;
	p2 =	por !p2, p0  }
0x20: {  	[sflag:s8] =	ssyncset.s32 @!p0 $0xFFFFF086;
	s6 =	sadd.s32 @!p0 s3, s7;
	s7 =	simm.s32 @!p0 $0x108  }
0x21: {  	s3 =	sadd.s32 s3, s9;
	s6 =	sadd.s32 @!p0 $0x88, s6;
	s7 =	simm.s32 @p2 $0x1082  }
0x22: {  	[simem:s7], [sflag:s8] =	dma.local @!p0 [hbm:s6], $0xF7A  }
0x23: {  	s9 =	sor.u32 $0xD0000000, s2;
	s6 =	simm.s32 $0x108;
	_ =	swait.ge @!p0 [sflag:s8], $0x0  }
0x24: {  	s3 =	sadd.s32 $0x88, s3;
	s6 =	simm.s32 @!p1 $0x1082;
	[sflag:s4] =	ssyncset.s32 $0xFFFFF086  }
0x25: {  	[simem:s6], [sflag:s4] =	dma.local [hbm:s3], $0xF7A  }
0x26: {  	[smem:$0x3F9B] =	sst s1;
	(tag) =	ssettag s2;
	_ =	strace s9  }
0x27: {  	s1 =	sld [smem:$0x3FAB]  }
0x28: {  	s2 =	sld [smem:$0x3FAC]  }
0x29: {  	s4 =	sld [smem:$0x3FAE]  }
0x2a: {  	p0 =	seq.s32 s5, $0x0;
	s5 =	sld [smem:$0x3FAF]  }
0x2b: {  	s6 =	sld [smem:$0x3FB0]  }
0x2c: {  	s7 =	sld [smem:$0x3FB1]  }
0x2d: {  	s3 =	simm.s32 $0x108;
	s8 =	sld [smem:$0x3FB2]  }
0x2e: {  	s3 =	simm.s32 @!p0 $0x1082;
	s9 =	sld [smem:$0x3FB3]  }
0x2f: {  	lr =	sadd.s32 s0, s3;
	s0 =	sld [smem:$0x3FAA]  }
0x30: {  	s3 =	sld [smem:$0x3FAD]  }
0x31: {  	[smem:$0x3FB6] =	sst s10  }
0x32: {  	s10 =	sld [smem:$0x3FB4];
	_ =	sdelay $0x3  }
0x33: {  	p0 =	seq.s32 s10, $0x1;
	s10 =	sld [smem:$0x3FB6];
	_ =	sdelay $0x3  }
0x34: {  	[smem:$0x3FB6] =	sst s10  }
0x35: {  	s10 =	sld [smem:$0x3FB5];
	_ =	sdelay $0x3  }
0x36: {  	p1 =	seq.s32 s10, $0x1;
	s10 =	sld [smem:$0x3FB6];
	_ =	sdelay $0x3  }
0x37: {  	[smem:$0x3FB6] =	sst s10  }
0x38: {  	s10 =	sld [smem:$0x3FB7]  }
0x39: {  	_ = 	snop;
	(pc) =	sbr.ind lr, $3  }
0x3a: {  	_ = 	snop  }
0x3b: {  	_ = 	snop  }
0x3c: {  	p2 =	seq.s32 s10, $0x1;
	s10 =	sld [smem:$0x3FB6]  }
0x3d: {  	_ =	shalt  }
0x3e: {  	_ =	shalt  }
0x3f: {  	_ =	shalt  }
0x40: {  	_ =	shalt  }
0x41: {  	_ =	shalt  }
0x42: {  	_ =	shalt  }
0x43: {  	_ =	shalt  }
0x44: {  	_ =	shalt  }
0x45: {  	_ =	shalt  }
0x46: {  	_ =	shalt  }
0x47: {  	_ =	shalt  }
0x48: {  	_ =	shalt  }
0x49: {  	_ =	shalt  }
0x4a: {  	_ =	shalt  }
0x4b: {  	_ =	shalt  }
0x4c: {  	_ =	shalt  }
0x4d: {  	_ =	shalt  }
0x4e: {  	_ =	shalt  }
0x4f: {  	_ =	shalt  }
0x50: {  	_ =	shalt  }
0x51: {  	_ =	shalt  }
0x52: {  	_ =	shalt  }
0x53: {  	_ =	shalt  }
0x54: {  	_ =	shalt  }
0x55: {  	_ =	shalt  }
0x56: {  	_ =	shalt  }
0x57: {  	_ =	shalt  }
0x58: {  	_ =	shalt  }
0x59: {  	_ =	shalt  }
0x5a: {  	_ =	shalt  }
0x5b: {  	_ =	shalt  }
0x5c: {  	_ =	shalt  }
0x5d: {  	_ =	shalt  }
0x5e: {  	_ =	shalt  }
0x5f: {  	_ =	shalt  }
0x60: {  	_ =	shalt  }
0x61: {  	_ =	shalt  }
0x62: {  	_ =	shalt  }
0x63: {  	_ =	shalt  }
0x64: {  	_ =	shalt  }
0x65: {  	_ =	shalt  }
0x66: {  	_ =	shalt  }
0x67: {  	_ =	shalt  }
0x68: {  	_ =	shalt  }
0x69: {  	_ =	shalt  }
0x6a: {  	_ =	shalt  }
0x6b: {  	_ =	shalt  }
0x6c: {  	_ =	shalt  }
0x6d: {  	_ =	shalt  }
0x6e: {  	_ =	shalt  }
0x6f: {  	_ =	shalt  }
0x70: {  	_ =	shalt  }
0x71: {  	_ =	shalt  }
0x72: {  	_ =	shalt  }
0x73: {  	_ =	shalt  }
0x74: {  	_ =	shalt  }
0x75: {  	_ =	shalt  }
0x76: {  	_ =	shalt  }
0x77: {  	_ =	shalt  }
0x78: {  	_ =	shalt  }
0x79: {  	_ =	shalt  }
0x7a: {  	_ =	shalt  }
0x7b: {  	_ =	shalt  }
0x7c: {  	_ =	shalt  }
0x7d: {  	_ =	shalt  }
0x7e: {  	_ =	shalt  }
0x7f: {  	_ =	shalt  }
0x80: {  	_ =	shalt  }
0x81: {  	_ =	shalt  }
0x82: {  	_ =	shalt  }
0x83: {  	_ =	shalt  }
0x84: {  	_ =	shalt  }
0x85: {  	_ =	shalt  }
0x86: {  	_ =	shalt  }
0x87: {  	_ =	shalt  }
.Lfunc_end0:
.L_simem_size_0:
called_computation.1_lowered:
.L_overlay_start_0:
0x88: {  	s2 =	sld [smem:$0x3FD9]  }
0x89: {  	s3 =	sld [smem:$0x3FFE];
	_ =	sdelay $0x1  }
0x8a: {  	s1 =	srdreg.scid  }
0x8b: {  	s0 =	sand.u32 $0x1, s1  }
0x8c: {  	s17 =	sshll.u32 s0, $0xA;
	s2 =	sadd.s32 s3, s2  }
0x8d: {  	s2 =	sadd.s32 s2, s17  }
0x8e: {  	[smem:$0x3FC2] =	sst s2  }
0x8f: {  	_ = 	snop  }
0x90: {  	s2 =	sld [smem:$0x3FC8]  }
0x91: {  	s18 =	sld [smem:$0x3FD0];
	(tm) =	ssettm $0x1  }
0x92: {  	s4 =	sld [smem:$0x3FFB];
	_ =	sdelay $0x3  }
0x93: {  	_ =	strace s4  }
0x94: {  	s4 =	sld [smem:$0x3FFC];
	_ =	sdelay $0x3  }
0x95: {  	_ =	strace s4  }
0x96: {  	s4 =	sld [smem:$0x3FFD];
	_ =	sdelay $0x3  }
0x97: {  	_ =	strace s4  }
0x98: {  	_ =	strace $0x8FFFFFFF  }
0x99: {  	s19 =	sld [smem:$0x3FDB];
	_ =	sdelay $0x1  }
0x9a: {  	s5 =	simm.s32 $_scs_section_size  }
0x9b: {  	s6 =	simm.s32 $_size__tile_overlayer_lowered;
	s7 =	simm.s32 $_tile_overlayer_lowered  }
0x9c: {  	s22 =	simm.s32 $0x1BFF;
	s21 =	sshll.u32 s7, $0x1;
	s4 =	sadd.s32 s5, s19  }
0x9d: {  	s8 =	simm.s32 $0x0;
	s20 =	sshll.u32 s6, $0x1;
	s6 =	sadd.s32 s21, s4  }
0x9e: {  	[timem:s8], [sflag:s22] =	dma.local [hbm:s6], s20  }
0x9f: {  	_ =	swait.ge [sflag:s22], s20  }
0xa0: {  	s5 =	ssub.s32 $0x0, s20;
	[sflag:s22] =	ssyncset.done $0x0  }
0xa1: {  	[sflag:s22] =	ssyncadd.s32 s5;
	_ =	sdelay $0x1  }
0xa2: {  	s23 =	simm.s32 $0x1B8B  }
0xa3: {  	_ =	swait.ge [sflag:s23], $0x1  }
0xa4: {  	[sflag:s23] =	ssyncset.done $0x0  }
0xa5: {  	s25 =	simm.s32 $0x1B8E;
	s24 =	sld [smem:$0x3FFE];
	[sflag:s23] =	ssyncadd.s32 $0xFFFFFFFF  }
0xa6: {  	s26 =	simm.s32 $execute0_lowered;
	[smem:$0x3FD2] =	sst s25  }
0xa7: {  	s6 =	sshll.u32 s26, $0x1;
	_ =	strace $0x80000049;
	[dreg:$0x1] =	wrdreg $0xFFFFFFFF  }
0xa8: {  	s28 =	simm.s32 $_size_execute0_lowered;
	s4 =	sadd.s32 s4, s6;
	[dreg:$0x0] =	wrdreg $0x0  }
0xa9: {  	s6 =	sshll.u32 s28, $0x1;
	[dreg:$0x2] =	wrdreg s4  }
0xaa: {  	[dreg:$0x3] =	wrdreg s6  }
0xab: {  	[dreg:$0x4] =	wrdreg $0xC0  }
0xac: {  	_ =	task [dreg:s8], $0x5FFFF  }
0xad: {  	[dreg:$0x1] =	wrdreg $0xFFFFFFFF  }
0xae: {  	[dreg:$0x0] =	wrdreg $0x60  }
0xaf: {  	[dreg:$0x2] =	wrdreg s2  }
0xb0: {  	[dreg:$0x3] =	wrdreg s24  }
0xb1: {  	[dreg:$0x4] =	wrdreg s18  }
0xb2: {  	[dreg:$0x5] =	wrdreg $0x9  }
0xb3: {  	_ =	task.clear_ibuf [dreg:s8], $0x6FFFF;
	_ =	strace $0x90000049  }
0xb4: {  	s29 =	simm.s32 $0x9;
	_ =	strace $0x8000004B  }
0xb5: {  	_ =	swait.ge [sflag:s29], $0x1  }
0xb6: {  	[sflag:s29] =	ssyncadd.s32 $0xFFFFFFFF  }
0xb7: {  	_ =	strace $0x9000004B  }
0xb8: {  	_ =	sfence  }
0xb9: {  	s30 =	sld [smem:$0x0];
	_ =	sdelay $0x2  }
0xba: {  	s31 =	sshll.u32 s1, $0xD;
	s1 =	sshrl.u32 s1, $0x2  }
0xbb: {  	s3 =	sand.u32 $0x4000, s31;
	s1 =	sadd.s32 s1, s30  }
0xbc: {  	s0 =	sor.u32 s3, s0;
	s1 =	sshll.u32 s1, $0x11  }
0xbd: {  	s0 =	sor.u32 s1, s0  }
0xbe: {  	s0 =	sadd.s32 $0x8F2B, s0  }
0xbf: {  	[sflag:s0] =	ssyncadd.remote.s32 $0x1  }
0xc0: {  	_ =	sfence.sel $0xFFFF  }
0xc1: {  	[dreg:$0x0] =	wrdreg $0xFFFFFFFF;
	(pc) =	sbr.abs _section_cstart, $3  }
0xc2: {  	[dreg:$0x1] =	wrdreg $0xFFFFFFFF  }
0xc3: {  	_ =	task.clear_ibuf [dreg:s8], $0x2FFFF;
	_ =	strace $0x9FFFFFFF  }
0xc4: {  	(tm) =	ssettm $0x7FFFFFFF  }
0xc5: {  	_ =	shalt  }
tec
execute0_lowered:
.L_overlay_start_1:
0x0: {  	(tag) =	ssettag $0x1  }
0x1: {  	s4 =	rddreg [dreg:$0x0]  }
0x2: {  	s3 =	rddreg [dreg:$0x1]  }
0x3: {  	s0 =	srdreg.scid;
	s6 =	rddreg [dreg:$0x2]  }
0x4: {  	s1 =	stileid.u32;
	s2 =	simm.s32 $0x0;
	s5 =	sand.u32 $0x1, s0  }
0x5: {  	s12 =	simm.s32 $0x0;
	s0 =	rddreg [dreg:$0x3];
	s7 =	sshll.u32 s5, $0x4  }
0x6: {  	[smem:$0x7FF] =	sst s2;
	s8 =	sshll.u32 s1, $0x7;
	s10 =	sor.u32 s1, s7  }
0x7: {  	s3 =	sadd.s32 $0x2000, s3;
	s7 =	sshrl.u32 s10, $0x3;
	s9 =	smul.u32 $0x9C0, s10  }
0x8: {  	_ =	strace $0x8000004A;
	s5 =	ssub.s32 $0x2, s5;
	s7 =	smul.u32 $0x14000, s7  }
.Ltmp0:
0x9: {  	s8 =	sand.u32 $0x380, s8;
	s11 =	sshrl.u32 s5, $0x1;
	(pc) =	sbr.rel .LBB2_1-.Ltmp0, $4  }
0xa: {  	s30 =	ssub.s32 s5, s11;
	p0 =	sne.s32 s10, $0x1F;
	s10 =	simm.s32 $0x80  }
0xb: {  	s11 =	simm.s32 $0x400;
	s4 =	sadd.s32 s4, s9;
	s7 =	sor.u32 s8, s7  }
0xc: {  	s9 =	simm.s32 $0x7A00;
	s8 =	simm.s32 $0x5200;
	s31 =	sshrl.u32 s7, $0x3  }
0xd: {  	v0 =	vimm.f32 $0.0e+00;
	s7 =	simm.s32 $0x1;
	s5 =	sadd.s32 s6, s31;
	s6 =	smax.u32 s30, $0x1  }
.LBB2_8:
0xe: {  	_ =	sdelay $0x4  }
0xf: {  	s13 =	sor.u32 s15, s16;
	[tilespmem:v1+s9+$0x0] =	vst.idx.add.f32.msk vm0, v2  }
0x10: {  	v1 =	vld [tilespmem:s13+$0x4E80];
	_ =	sdelay $0x1  }
0x11: {  	v2 =	vld [tilespmem:s13+$0x4E00];
	_ =	sdelay $0x4  }
0x12: {  	vm15 =	vne.s32 v2, v1  }
0x13: {  	v1 =	vld.idx.msk [tilespmem:v1+s8+$0x0], $0xffff;
	_ =	sdelay $0x4  }
0x14: {  	[tilespmem:v2+s9+$0x0] =	vst.idx.add.f32.msk vm15, v1  }
.LBB2_9:
0x15: {  	s12 =	sadd.s32 $0x1, s12  }
0x16: {  	p1 =	sne.s32 s12, s6  }
.Ltmp1:
0x17: {  	_ = 	snop;
	(pc) =	sbr.rel @!p1 .LBB2_10-.Ltmp1, $4  }
0x18: {  	[hbm4b:s5+s10] =	stream.strided.scatter [tilespmem:s9], [sflag:$0x1], $0x2800, s11, s10, $0x38;
	[tilespmem:$0xA200] =	vst v63  }
0x19: {  	_ =	swait.ge [sflag:s7], $0x2800  }
0x1a: {  	[sflag:s7] =	ssyncset.done $0x0  }
0x1b: {  	[sflag:s7] =	ssyncadd.s32 $0xFFFFD800  }
.LBB2_1:
0x1c: {  	s13 =	simm.s32 $0x7A20  }
0x1d: {  	[tilespmem:s13+$0xFFFFFFE0] =	vst v0  }
0x1e: {  	[tilespmem:s13+$0x10] =	vst v0  }
0x1f: {  	s14 =	simm.s32 $0x0;
	[tilespmem:s13+$0x0] =	vst v0  }
.LBB2_2:
0x20: {  	s14 =	sadd.s32 $0x4, s14  }
0x21: {  	[tilespmem:s13+$0xFFFFFFF0] =	vst v0;
	s13 =	sadd.s32 $0x40, s13;
	p1 =	slt.u32 s14, $0x27C  }
.Ltmp2:
0x22: {  	[tilespmem:s13+$0xFFFFFFE0] =	vst v0;
	(pc) =	sbr.rel @p1 .LBB2_2-.Ltmp2, $3  }
0x23: {  	_ =	sdelay $0x1  }
0x24: {  	[tilespmem:s13+$0x10] =	vst v0  }
0x25: {  	[tilespmem:s13+$0x0] =	vst v0  }
0x26: {  	[tilespmem:s13+$0xFFFFFFF0] =	vst v0  }
0x27: {  	[tilespmem:s2], [sflag:$0x1] =	stream.linear.gather [hbm4b:s4+s2], $0x5200, $0x38;
	[tilespmem:$0xA200] =	vst v63  }
0x28: {  	_ =	swait.ge [sflag:s7], $0x5200  }
0x29: {  	[sflag:s7] =	ssyncset.done $0x0  }
0x2a: {  	[sflag:s7] =	ssyncadd.s32 $0xFFFFAE00  }
0x2b: {  	[tilespmem:s8], [sflag:$0x1] =	stream.linear.gather [hbm4b:s3+s2], $0x2800, $0x38;
	[tilespmem:$0xA200] =	vst v63  }
0x2c: {  	_ =	swait.ge [sflag:s7], $0x2800  }
0x2d: {  	[sflag:s7] =	ssyncset.done $0x0  }
0x2e: {  	s13 =	simm.s32 $0x80;
	[sflag:s7] =	ssyncadd.s32 $0xFFFFD800  }
0x2f: {  	v1 =	vld [tilespmem:s13+$0xFFFFFFE0]  }
0x30: {  	v5 =	vld [tilespmem:s13+$0xFFFFFFF0]  }
0x31: {  	v7 =	vld [tilespmem:s13+$0xFFFFFFA0]  }
0x32: {  	v2 =	vld [tilespmem:s13+$0xFFFFFF80]  }
0x33: {  	v4 =	vld [tilespmem:s13+$0x70]  }
0x34: {  	v8 =	vld [tilespmem:s13+$0xFFFFFFC0]  }
0x35: {  	v9 =	vld [tilespmem:s13+$0x60]  }
0x36: {  	v10 =	vld [tilespmem:s13+$0xFFFFFFB0]  }
0x37: {  	v11 =	vld [tilespmem:s13+$0xFFFFFF90]  }
0x38: {  	v6 =	vld [tilespmem:s13+$0x40]  }
0x39: {  	v15 =	vld [tilespmem:s13+$0x20]  }
0x3a: {  	v12 =	vld [tilespmem:s13+$0x50]  }
0x3b: {  	v13 =	vld [tilespmem:s13+$0x30]  }
0x3c: {  	v16 =	vld [tilespmem:s13+$0x10];
	vm0 =	vne.s32 v5, v4  }
0x3d: {  	v14 =	vld.idx.msk [tilespmem:v4+s8+$0x0], $0xffff  }
0x3e: {  	v3 =	vld [tilespmem:s13+$0xFFFFFFD0]  }
0x3f: {  	v17 =	vld [tilespmem:s13+$0x0]  }
0x40: {  	vm2 =	vne.s32 v7, v15;
	v63 =	vld.idx.msk [tilespmem:v6+s8+$0x0], $0xffff  }
0x41: {  	v15 =	vld.idx.msk [tilespmem:v15+s8+$0x0], $0xffff  }
0x42: {  	[tilespmem:v5+s9+$0x0] =	vst.idx.add.f32.msk vm0, v14;
	vm0 =	vne.s32 v8, v6  }
0x43: {  	vm1 =	vne.s32 v10, v13;
	v13 =	vld.idx.msk [tilespmem:v13+s8+$0x0], $0xffff  }
0x44: {  	vm4 =	vne.s32 v11, v16;
	v16 =	vld.idx.msk [tilespmem:v16+s8+$0x0], $0xffff  }
0x45: {  	v5 =	vld.idx.msk [tilespmem:v12+s8+$0x0], $0xffff  }
0x46: {  	[tilespmem:v7+s9+$0x0] =	vst.idx.add.f32.msk vm2, v15;
	vm2 =	vne.s32 v3, v12  }
0x47: {  	vm3 =	vne.s32 v2, v17;
	v6 =	vld.idx.msk [tilespmem:v17+s8+$0x0], $0xffff  }
0x48: {  	[tilespmem:v8+s9+$0x0] =	vst.idx.add.f32.msk vm0, v63;
	vm0 =	vne.s32 v1, v9  }
0x49: {  	v4 =	vld.idx.msk [tilespmem:v9+s8+$0x0], $0xffff  }
0x4a: {  	[tilespmem:v10+s9+$0x0] =	vst.idx.add.f32.msk vm1, v13  }
0x4b: {  	s14 =	simm.s32 $0x0;
	[tilespmem:v11+s9+$0x0] =	vst.idx.add.f32.msk vm4, v16  }
.LBB2_4:
0x4c: {  	s14 =	sadd.s32 $0x8, s14;
	[tilespmem:v3+s9+$0x0] =	vst.idx.add.f32.msk vm2, v5;
	s13 =	sadd.s32 $0x100, s13  }
0x4d: {  	p1 =	slt.u32 s14, $0x268;
	[tilespmem:v2+s9+$0x0] =	vst.idx.add.f32.msk vm3, v6  }
0x4e: {  	[tilespmem:v1+s9+$0x0] =	vst.idx.add.f32.msk vm0, v4  }
0x4f: {  	v1 =	vld [tilespmem:s13+$0xFFFFFFE0]  }
0x50: {  	v6 =	vld [tilespmem:s13+$0xFFFFFFF0]  }
0x51: {  	v7 =	vld [tilespmem:s13+$0xFFFFFFA0]  }
0x52: {  	v2 =	vld [tilespmem:s13+$0xFFFFFF80]  }
0x53: {  	v5 =	vld [tilespmem:s13+$0x70]  }
0x54: {  	v8 =	vld [tilespmem:s13+$0xFFFFFFC0]  }
0x55: {  	v4 =	vld [tilespmem:s13+$0x60]  }
0x56: {  	v9 =	vld [tilespmem:s13+$0xFFFFFFB0]  }
0x57: {  	v10 =	vld [tilespmem:s13+$0xFFFFFF90]  }
0x58: {  	v3 =	vld [tilespmem:s13+$0xFFFFFFD0];
	vm1 =	vne.s32 v6, v5  }
0x59: {  	v11 =	vld [tilespmem:s13+$0x50]  }
0x5a: {  	v12 =	vld [tilespmem:s13+$0x40];
	vm0 =	vne.s32 v1, v4  }
0x5b: {  	v13 =	vld [tilespmem:s13+$0x30]  }
0x5c: {  	v14 =	vld [tilespmem:s13+$0x20]  }
0x5d: {  	v15 =	vld [tilespmem:s13+$0x10]  }
0x5e: {  	v16 =	vld [tilespmem:s13+$0x0]  }
0x5f: {  	v4 =	vld.idx.msk [tilespmem:v4+s8+$0x0], $0xffff  }
0x60: {  	vm4 =	vne.s32 v9, v13;
	v17 =	vld.idx.msk [tilespmem:v5+s8+$0x0], $0xffff  }
0x61: {  	vm2 =	vne.s32 v3, v11;
	v5 =	vld.idx.msk [tilespmem:v11+s8+$0x0], $0xffff  }
0x62: {  	vm6 =	vne.s32 v8, v12;
	vm5 =	vne.s32 v10, v15;
	v11 =	vld.idx.msk [tilespmem:v12+s8+$0x0], $0xffff  }
0x63: {  	vm3 =	vne.s32 v2, v16;
	v12 =	vld.idx.msk [tilespmem:v13+s8+$0x0], $0xffff  }
0x64: {  	vm7 =	vne.s32 v7, v14;
	v13 =	vld.idx.msk [tilespmem:v14+s8+$0x0], $0xffff  }
0x65: {  	v14 =	vld.idx.msk [tilespmem:v15+s8+$0x0], $0xffff  }
0x66: {  	[tilespmem:v6+s9+$0x0] =	vst.idx.add.f32.msk vm1, v17  }
.Ltmp3:
0x67: {  	v6 =	vld.idx.msk [tilespmem:v16+s8+$0x0], $0xffff;
	(pc) =	sbr.rel @p1 .LBB2_4-.Ltmp3, $4  }
0x68: {  	[tilespmem:v8+s9+$0x0] =	vst.idx.add.f32.msk vm6, v11  }
0x69: {  	[tilespmem:v9+s9+$0x0] =	vst.idx.add.f32.msk vm4, v12  }
0x6a: {  	[tilespmem:v7+s9+$0x0] =	vst.idx.add.f32.msk vm7, v13  }
0x6b: {  	[tilespmem:v10+s9+$0x0] =	vst.idx.add.f32.msk vm5, v14  }
0x6c: {  	_ =	sdelay $0x2  }
.Ltmp4:
0x6d: {  	_ = 	snop;
	(pc) =	sbr.rel @p0 .LBB2_9-.Ltmp4, $4  }
0x6e: {  	_ = 	snop  }
0x6f: {  	[tilespmem:v3+s9+$0x0] =	vst.idx.add.f32.msk vm2, v5  }
0x70: {  	[tilespmem:v2+s9+$0x0] =	vst.idx.add.f32.msk vm3, v6  }
0x71: {  	[tilespmem:v1+s9+$0x0] =	vst.idx.add.f32.msk vm0, v4;
	s13 =	simm.s32 $0x0  }
0x72: {  	s14 =	sand.u32 $0x70, s13;
	s15 =	sand.u32 $0x300, s13  }
0x73: {  	s14 =	sor.u32 s14, s15  }
0x74: {  	v3 =	vld [tilespmem:s14+$0x4E80];
	_ =	sdelay $0x1  }
0x75: {  	v1 =	vld [tilespmem:s14+$0x4E00];
	_ =	sdelay $0x4  }
0x76: {  	vm0 =	vne.s32 v1, v3  }
0x77: {  	v2 =	vld.idx.msk [tilespmem:v3+s8+$0x0], $0xffff;
	_ =	sdelay $0x2  }
0x78: {  	s31 =	sadd.s32 $0x10, s13;
	s13 =	sadd.s32 $0x20, s13  }
0x79: {  	s15 =	sand.u32 $0x70, s31;
	s16 =	sand.u32 $0x300, s13;
	s14 =	sadd.s32 $0x10, s31  }
.LBB2_7:
0x7a: {  	p1 =	sne.s32 s14, $0x1F0;
	s15 =	sor.u32 s15, s16;
	[tilespmem:v1+s9+$0x0] =	vst.idx.add.f32.msk vm0, v2  }
0x7b: {  	v3 =	vld [tilespmem:s15+$0x4E80];
	_ =	sdelay $0x2  }
0x7c: {  	v1 =	vld [tilespmem:s15+$0x4E00];
	_ =	sdelay $0x4  }
0x7d: {  	v2 =	vld.idx.msk [tilespmem:v3+s8+$0x0], $0xffff;
	vm0 =	vne.s32 v1, v3  }
.Ltmp5:
0x7e: {  	(pc) =	sbr.rel @p1 .LBB2_7-.Ltmp5, $3  }
0x7f: {  	_ =	sdelay $0x1  }
0x80: {  	s13 =	sadd.s32 $0x20, s13  }
0x81: {  	s16 =	sand.u32 $0x300, s13;
	s15 =	sand.u32 $0x70, s14;
	s14 =	sadd.s32 $0x10, s14  }
.Ltmp6:
0x82: {  	_ = 	snop;
	(pc) =	sbr.rel .LBB2_8-.Ltmp6, $1  }
0x83: {  	_ =	sdelay $0x3  }
.LBB2_10:
0x84: {  	_ =	sfence.sel $0x180000  }
0x85: {  	[bflag:$0x0] =	sbarrier.arrive $0xFFFF  }
0x86: {  	p0 =	sne.s32 s1, $0x0;
	_ =	strace $0x9000004A  }
0x87: {  	s0 =	sadd.s32 @!p0 $0x100000, s0;
	[bflag:$0x2] =	sbarrier.arrive $0xFFFF  }
0x88: {  	[sflag:s0] =	ssyncadd.tile.s32 @!p0 $0x1;
	_ =	shalt  }
.Lfunc_end2:
_tile_overlayer_lowered:
.L_overlay_start_2:
0x89: {  	(tag) =	ssettag $0x2  }
0x8a: {  	s0 =	rddreg [dreg:$0x0];
	s2 =	stileid.u32  }
0x8b: {  	s1 =	rddreg [dreg:$0x1];
	p0 =	sne.s32 s2, $0x0  }
0x8c: {  	s3 =	rddreg [dreg:$0x2];
	[bflag:$0x3] =	sbarrier.arrive $0xFFFF;
	s2 =	simm.s32 @!p0 $0x1C01  }
0x8d: {  	[timem:s3], [sflag:s2] =	dma.local @!p0 [hbm:s0], s1  }
0x8e: {  	s0 =	simm.s32 @!p0 $0x1  }
0x8f: {  	_ =	swait.ge @!p0 [sflag:s0], s1  }
0x90: {  	s1 =	ssub.s32 @!p0 $0x0, s1;
	[sflag:s0] =	ssyncset.done @!p0 $0x0  }
0x91: {  	[sflag:s0] =	ssyncadd.s32 @!p0 s1  }
0x92: {  	[bflag:$0x3] =	sbarrier.arrive $0xFFFF  }
0x93: {  	_ =	shalt  }

// kernel: kernel.7.cloned.1.call-start
scs
__scs_entry_jumppad:
0x0: {  	(pc) =	sbr.rel $0x88, $3  }
0x1: {  	(tag) =	ssettag $0x0;
	lr =	simm.s32 $0x1  }
0x2: {  	[smem:$0x3F9B] =	sst lr;
	_ =	strace $0xD0000000  }
0x3: {  	_ = 	snop  }
0x4: {  	_ = 	snop  }
0x5: {  	_ = 	snop  }
0x6: {  	_ = 	snop  }
0x7: {  	_ = 	snop  }
__scs_overlays_trampoline_lowered:
0x8: {  	[smem:$0x3FAA] =	sst s0  }
0x9: {  	[smem:$0x3FAB] =	sst s1  }
0xa: {  	[smem:$0x3FAC] =	sst s2  }
0xb: {  	[smem:$0x3FAD] =	sst s3  }
0xc: {  	[smem:$0x3FAE] =	sst s4  }
0xd: {  	[smem:$0x3FAF] =	sst s5  }
0xe: {  	[smem:$0x3FB0] =	sst s6  }
0xf: {  	[smem:$0x3FB1] =	sst s7  }
0x10: {  	[smem:$0x3FB2] =	sst s8  }
0x11: {  	[smem:$0x3FB3] =	sst s9;
	s0 =	simm.s32 @!p0 $0x0  }
0x12: {  	s1 =	sld [smem:$0x3F99];
	s0 =	simm.s32 @p0 $0x1  }
0x13: {  	[smem:$0x3FB4] =	sst s0;
	s0 =	simm.s32 @!p1 $0x0  }
0x14: {  	s2 =	sld [smem:$0x3F98];
	s0 =	simm.s32 @p1 $0x1  }
0x15: {  	[smem:$0x3FB5] =	sst s0;
	s0 =	simm.s32 @!p2 $0x0  }
0x16: {  	s3 =	sld [smem:$0x3FDB];
	s0 =	simm.s32 @p2 $0x1  }
0x17: {  	s4 =	simm.s32 $0x1BF5;
	[smem:$0x3FB7] =	sst s0  }
0x18: {  	s0 =	sld [smem:$0x3F9A];
	_ =	swait.ge [sflag:s4], $0x0  }
0x19: {  	s7 =	sld [smem:$0x3F9B]  }
0x1a: {  	s8 =	sadd.s32 $0xFFFFE003, lr  }
0x1b: {  	s9 =	sadd.s32 $0xFFFFFEF7, lr;
	s5 =	simm.s32 $0xFFFFFFFF;
	p2 =	slt.u32 s8, $0xFFFFF086  }
0x1c: {  	p1 =	slt.u32 s9, $0xF7A;
	s5 =	simm.s32 @!p2 $0x0  }
0x1d: {  	s5 =	simm.s32 @p1 $0x1;
	p0 =	seq.s32 s7, s2  }
0x1e: {  	s7 =	smul.u32 @!p0 $0xF7A, s2;
	p2 =	seq.s32 @!p0 s5, $0x0  }
0x1f: {  	s9 =	smul.u32 $0xF7A, s1;
	s8 =	simm.s32 @!p0 $0x1BF5;
	p2 =	por !p2, p0  }
0x20: {  	[sflag:s8] =	ssyncset.s32 @!p0 $0xFFFFF086;
	s6 =	sadd.s32 @!p0 s3, s7;
	s7 =	simm.s32 @!p0 $0x108  }
0x21: {  	s3 =	sadd.s32 s3, s9;
	s6 =	sadd.s32 @!p0 $0x88, s6;
	s7 =	simm.s32 @p2 $0x1082  }
0x22: {  	[simem:s7], [sflag:s8] =	dma.local @!p0 [hbm:s6], $0xF7A  }
0x23: {  	s9 =	sor.u32 $0xD0000000, s2;
	s6 =	simm.s32 $0x108;
	_ =	swait.ge @!p0 [sflag:s8], $0x0  }
0x24: {  	s3 =	sadd.s32 $0x88, s3;
	s6 =	simm.s32 @!p1 $0x1082;
	[sflag:s4] =	ssyncset.s32 $0xFFFFF086  }
0x25: {  	[simem:s6], [sflag:s4] =	dma.local [hbm:s3], $0xF7A  }
0x26: {  	[smem:$0x3F9B] =	sst s1;
	(tag) =	ssettag s2;
	_ =	strace s9  }
0x27: {  	s1 =	sld [smem:$0x3FAB]  }
0x28: {  	s2 =	sld [smem:$0x3FAC]  }
0x29: {  	s4 =	sld [smem:$0x3FAE]  }
0x2a: {  	p0 =	seq.s32 s5, $0x0;
	s5 =	sld [smem:$0x3FAF]  }
0x2b: {  	s6 =	sld [smem:$0x3FB0]  }
0x2c: {  	s7 =	sld [smem:$0x3FB1]  }
0x2d: {  	s3 =	simm.s32 $0x108;
	s8 =	sld [smem:$0x3FB2]  }
0x2e: {  	s3 =	simm.s32 @!p0 $0x1082;
	s9 =	sld [smem:$0x3FB3]  }
0x2f: {  	lr =	sadd.s32 s0, s3;
	s0 =	sld [smem:$0x3FAA]  }
0x30: {  	s3 =	sld [smem:$0x3FAD]  }
0x31: {  	[smem:$0x3FB6] =	sst s10  }
0x32: {  	s10 =	sld [smem:$0x3FB4];
	_ =	sdelay $0x3  }
0x33: {  	p0 =	seq.s32 s10, $0x1;
	s10 =	sld [smem:$0x3FB6];
	_ =	sdelay $0x3  }
0x34: {  	[smem:$0x3FB6] =	sst s10  }
0x35: {  	s10 =	sld [smem:$0x3FB5];
	_ =	sdelay $0x3  }
0x36: {  	p1 =	seq.s32 s10, $0x1;
	s10 =	sld [smem:$0x3FB6];
	_ =	sdelay $0x3  }
0x37: {  	[smem:$0x3FB6] =	sst s10  }
0x38: {  	s10 =	sld [smem:$0x3FB7]  }
0x39: {  	_ = 	snop;
	(pc) =	sbr.ind lr, $3  }
0x3a: {  	_ = 	snop  }
0x3b: {  	_ = 	snop  }
0x3c: {  	p2 =	seq.s32 s10, $0x1;
	s10 =	sld [smem:$0x3FB6]  }
0x3d: {  	_ =	shalt  }
0x3e: {  	_ =	shalt  }
0x3f: {  	_ =	shalt  }
0x40: {  	_ =	shalt  }
0x41: {  	_ =	shalt  }
0x42: {  	_ =	shalt  }
0x43: {  	_ =	shalt  }
0x44: {  	_ =	shalt  }
0x45: {  	_ =	shalt  }
0x46: {  	_ =	shalt  }
0x47: {  	_ =	shalt  }
0x48: {  	_ =	shalt  }
0x49: {  	_ =	shalt  }
0x4a: {  	_ =	shalt  }
0x4b: {  	_ =	shalt  }
0x4c: {  	_ =	shalt  }
0x4d: {  	_ =	shalt  }
0x4e: {  	_ =	shalt  }
0x4f: {  	_ =	shalt  }
0x50: {  	_ =	shalt  }
0x51: {  	_ =	shalt  }
0x52: {  	_ =	shalt  }
0x53: {  	_ =	shalt  }
0x54: {  	_ =	shalt  }
0x55: {  	_ =	shalt  }
0x56: {  	_ =	shalt  }
0x57: {  	_ =	shalt  }
0x58: {  	_ =	shalt  }
0x59: {  	_ =	shalt  }
0x5a: {  	_ =	shalt  }
0x5b: {  	_ =	shalt  }
0x5c: {  	_ =	shalt  }
0x5d: {  	_ =	shalt  }
0x5e: {  	_ =	shalt  }
0x5f: {  	_ =	shalt  }
0x60: {  	_ =	shalt  }
0x61: {  	_ =	shalt  }
0x62: {  	_ =	shalt  }
0x63: {  	_ =	shalt  }
0x64: {  	_ =	shalt  }
0x65: {  	_ =	shalt  }
0x66: {  	_ =	shalt  }
0x67: {  	_ =	shalt  }
0x68: {  	_ =	shalt  }
0x69: {  	_ =	shalt  }
0x6a: {  	_ =	shalt  }
0x6b: {  	_ =	shalt  }
0x6c: {  	_ =	shalt  }
0x6d: {  	_ =	shalt  }
0x6e: {  	_ =	shalt  }
0x6f: {  	_ =	shalt  }
0x70: {  	_ =	shalt  }
0x71: {  	_ =	shalt  }
0x72: {  	_ =	shalt  }
0x73: {  	_ =	shalt  }
0x74: {  	_ =	shalt  }
0x75: {  	_ =	shalt  }
0x76: {  	_ =	shalt  }
0x77: {  	_ =	shalt  }
0x78: {  	_ =	shalt  }
0x79: {  	_ =	shalt  }
0x7a: {  	_ =	shalt  }
0x7b: {  	_ =	shalt  }
0x7c: {  	_ =	shalt  }
0x7d: {  	_ =	shalt  }
0x7e: {  	_ =	shalt  }
0x7f: {  	_ =	shalt  }
0x80: {  	_ =	shalt  }
0x81: {  	_ =	shalt  }
0x82: {  	_ =	shalt  }
0x83: {  	_ =	shalt  }
0x84: {  	_ =	shalt  }
0x85: {  	_ =	shalt  }
0x86: {  	_ =	shalt  }
0x87: {  	_ =	shalt  }
.Lfunc_end0:
.L_simem_size_0:
called_computation_lowered:
.L_overlay_start_0:
0x88: {  	s2 =	sld [smem:$0x3FD9]  }
0x89: {  	s3 =	sld [smem:$0x3FFE];
	_ =	sdelay $0x1  }
0x8a: {  	s1 =	srdreg.scid  }
0x8b: {  	s0 =	sand.u32 $0x1, s1  }
0x8c: {  	s18 =	sshll.u32 s0, $0xA;
	s2 =	sadd.s32 s3, s2  }
0x8d: {  	s2 =	sadd.s32 s2, s18  }
0x8e: {  	[smem:$0x3FC2] =	sst s2  }
0x8f: {  	_ = 	snop  }
0x90: {  	s2 =	sld [smem:$0x3FC8]  }
0x91: {  	s19 =	sld [smem:$0x3FD0];
	(tm) =	ssettm $0x1  }
0x92: {  	s4 =	sld [smem:$0x3FFB];
	_ =	sdelay $0x3  }
0x93: {  	_ =	strace s4  }
0x94: {  	s4 =	sld [smem:$0x3FFC];
	_ =	sdelay $0x3  }
0x95: {  	_ =	strace s4  }
0x96: {  	s4 =	sld [smem:$0x3FFD];
	_ =	sdelay $0x3  }
0x97: {  	_ =	strace s4  }
0x98: {  	_ =	strace $0x8FFFFFFF  }
0x99: {  	s20 =	sld [smem:$0x3FDB];
	_ =	sdelay $0x1  }
0x9a: {  	s5 =	simm.s32 $_scs_section_size  }
0x9b: {  	s6 =	simm.s32 $_size__tile_overlayer_lowered;
	s7 =	simm.s32 $_tile_overlayer_lowered  }
0x9c: {  	s23 =	simm.s32 $0x1BFF;
	s22 =	sshll.u32 s7, $0x1;
	s4 =	sadd.s32 s5, s20  }
0x9d: {  	s8 =	simm.s32 $0x0;
	s21 =	sshll.u32 s6, $0x1;
	s6 =	sadd.s32 s22, s4  }
0x9e: {  	[timem:s8], [sflag:s23] =	dma.local [hbm:s6], s21  }
0x9f: {  	_ =	swait.ge [sflag:s23], s21  }
0xa0: {  	s5 =	ssub.s32 $0x0, s21;
	[sflag:s23] =	ssyncset.done $0x0  }
0xa1: {  	[sflag:s23] =	ssyncadd.s32 s5;
	_ =	sdelay $0x1  }
0xa2: {  	s24 =	simm.s32 $0x1B8B  }
0xa3: {  	_ =	swait.ge [sflag:s24], $0x1  }
0xa4: {  	[sflag:s24] =	ssyncset.done $0x0  }
0xa5: {  	s25 =	simm.s32 $0x1B8E;
	[sflag:s24] =	ssyncadd.s32 $0xFFFFFFFF  }
0xa6: {  	s26 =	simm.s32 $execute0_lowered;
	[smem:$0x3FD2] =	sst s25  }
0xa7: {  	s5 =	sshll.u32 s26, $0x1;
	_ =	strace $0x80000046;
	[dreg:$0x1] =	wrdreg $0xFFFFFFFF  }
0xa8: {  	s28 =	simm.s32 $_size_execute0_lowered;
	s4 =	sadd.s32 s4, s5;
	[dreg:$0x0] =	wrdreg $0x0  }
0xa9: {  	s5 =	sshll.u32 s28, $0x1;
	[dreg:$0x2] =	wrdreg s4  }
0xaa: {  	[dreg:$0x3] =	wrdreg s5  }
0xab: {  	[dreg:$0x4] =	wrdreg $0xC0  }
0xac: {  	_ =	task [dreg:s8], $0x5FFFF  }
0xad: {  	[dreg:$0x1] =	wrdreg $0xFFFFFFFF  }
0xae: {  	[dreg:$0x0] =	wrdreg $0x60  }
0xaf: {  	[dreg:$0x2] =	wrdreg s2  }
0xb0: {  	[dreg:$0x3] =	wrdreg s19  }
0xb1: {  	[dreg:$0x4] =	wrdreg $0x9  }
0xb2: {  	_ =	task.clear_ibuf [dreg:s8], $0x5FFFF;
	_ =	strace $0x90000046  }
0xb3: {  	s29 =	simm.s32 $0x9;
	_ =	strace $0x80000048  }
0xb4: {  	_ =	swait.ge [sflag:s29], $0x1  }
0xb5: {  	[sflag:s29] =	ssyncadd.s32 $0xFFFFFFFF  }
0xb6: {  	_ =	strace $0x90000048  }
0xb7: {  	_ =	sfence  }
0xb8: {  	s30 =	sld [smem:$0x0];
	_ =	sdelay $0x2  }
0xb9: {  	s31 =	sshll.u32 s1, $0xD;
	s1 =	sshrl.u32 s1, $0x2  }
0xba: {  	s3 =	sand.u32 $0x4000, s31;
	s1 =	sadd.s32 s1, s30  }
0xbb: {  	s0 =	sor.u32 s3, s0;
	s1 =	sshll.u32 s1, $0x11  }
0xbc: {  	s0 =	sor.u32 s1, s0  }
0xbd: {  	s0 =	sadd.s32 $0x8F2B, s0  }
0xbe: {  	[sflag:s0] =	ssyncadd.remote.s32 $0x1  }
0xbf: {  	_ =	sfence.sel $0xFFFF  }
0xc0: {  	[dreg:$0x0] =	wrdreg $0xFFFFFFFF;
	(pc) =	sbr.abs _section_cstart, $3  }
0xc1: {  	[dreg:$0x1] =	wrdreg $0xFFFFFFFF  }
0xc2: {  	_ =	task.clear_ibuf [dreg:s8], $0x2FFFF;
	_ =	strace $0x9FFFFFFF  }
0xc3: {  	(tm) =	ssettm $0x7FFFFFFF  }
tec
execute0_lowered:
.L_overlay_start_1:
0x0: {  	(tag) =	ssettag $0x1  }
0x1: {  	s0 =	srdreg.scid;
	s4 =	rddreg [dreg:$0x0]  }
0x2: {  	s5 =	rddreg [dreg:$0x1];
	s3 =	sand.u32 $0x1, s0  }
0x3: {  	s2 =	simm.s32 $0x0;
	s0 =	stileid.u32;
	s1 =	sshll.u32 s3, $0x4  }
0x4: {  	[smem:$0x7FF] =	sst s2;
	s7 =	sshll.u32 s0, $0x7;
	s8 =	sor.u32 s0, s1  }
0x5: {  	s3 =	ssub.s32 $0x2, s3;
	s6 =	sshrl.u32 s8, $0x3;
	s10 =	smul.u32 $0x9C0, s8  }
0x6: {  	s1 =	rddreg [dreg:$0x2];
	s7 =	sand.u32 $0x380, s7;
	s6 =	smul.u32 $0x14000, s6  }
.Ltmp0:
0x7: {  	s9 =	sshrl.u32 s3, $0x1;
	_ =	strace $0x80000047;
	(pc) =	sbr.rel .LBB2_1-.Ltmp0, $4  }
0x8: {  	s31 =	ssub.s32 s3, s9;
	p0 =	sne.s32 s8, $0x1F;
	s8 =	simm.s32 $0x80  }
0x9: {  	s9 =	simm.s32 $0x400;
	s3 =	sadd.s32 s4, s10;
	s6 =	sor.u32 s7, s6  }
0xa: {  	s10 =	simm.s32 $0x0;
	s7 =	simm.s32 $0x5200;
	s6 =	sshrl.u32 s6, $0x3  }
0xb: {  	v0 =	vimm.f32 $0.0e+00;
	v1 =	vimm.f32 $1.000000000e+00;
	s4 =	sadd.s32 s5, s6;
	s5 =	smax.u32 s31, $0x1;
	s6 =	simm.s32 $0x1  }
.LBB2_8:
0xc: {  	v2 =	vld [tilespmem:s13+$0x4E80]  }
0xd: {  	v3 =	vld [tilespmem:s13+$0x4E00];
	_ =	sdelay $0x4  }
0xe: {  	vm0 =	vne.s32 v3, v2;
	_ =	sdelay $0x5  }
0xf: {  	[tilespmem:v2+s7+$0x0] =	vst.idx.add.f32.msk vm0, v1  }
.LBB2_9:
0x10: {  	s10 =	sadd.s32 $0x1, s10  }
0x11: {  	p1 =	sne.s32 s10, s5  }
.Ltmp1:
0x12: {  	_ = 	snop;
	(pc) =	sbr.rel @!p1 .LBB2_10-.Ltmp1, $4  }
0x13: {  	[hbm4b:s4+s8] =	stream.strided.scatter [tilespmem:s7], [sflag:$0x1], $0x2800, s9, s8, $0x38;
	[tilespmem:$0x7A00] =	vst v63  }
0x14: {  	_ =	swait.ge [sflag:s6], $0x2800  }
0x15: {  	[sflag:s6] =	ssyncset.done $0x0  }
0x16: {  	[sflag:s6] =	ssyncadd.s32 $0xFFFFD800  }
.LBB2_1:
0x17: {  	s11 =	simm.s32 $0x5220  }
0x18: {  	[tilespmem:s11+$0xFFFFFFE0] =	vst v0  }
0x19: {  	[tilespmem:s11+$0x10] =	vst v0  }
0x1a: {  	s12 =	simm.s32 $0x0;
	[tilespmem:s11+$0x0] =	vst v0  }
.LBB2_2:
0x1b: {  	s12 =	sadd.s32 $0x4, s12  }
0x1c: {  	[tilespmem:s11+$0xFFFFFFF0] =	vst v0;
	s11 =	sadd.s32 $0x40, s11;
	p1 =	slt.u32 s12, $0x27C  }
.Ltmp2:
0x1d: {  	[tilespmem:s11+$0xFFFFFFE0] =	vst v0;
	(pc) =	sbr.rel @p1 .LBB2_2-.Ltmp2, $3  }
0x1e: {  	_ =	sdelay $0x1  }
0x1f: {  	[tilespmem:s11+$0x10] =	vst v0  }
0x20: {  	[tilespmem:s11+$0x0] =	vst v0  }
0x21: {  	[tilespmem:s11+$0xFFFFFFF0] =	vst v0  }
0x22: {  	[tilespmem:s2], [sflag:$0x1] =	stream.linear.gather [hbm4b:s3+s2], $0x5200, $0x38;
	[tilespmem:$0x7A00] =	vst v63  }
0x23: {  	_ =	swait.ge [sflag:s6], $0x5200  }
0x24: {  	[sflag:s6] =	ssyncset.done $0x0  }
0x25: {  	s31 =	simm.s32 $0x80;
	[sflag:s6] =	ssyncadd.s32 $0xFFFFAE00  }
0x26: {  	v3 =	vld [tilespmem:s31+$0xFFFFFFF0]  }
0x27: {  	v5 =	vld [tilespmem:s31+$0x70]  }
0x28: {  	v4 =	vld [tilespmem:s31+$0xFFFFFF90]  }
0x29: {  	v6 =	vld [tilespmem:s31+$0x10]  }
0x2a: {  	v7 =	vld [tilespmem:s31+$0xFFFFFFA0]  }
0x2b: {  	v8 =	vld [tilespmem:s31+$0x20]  }
0x2c: {  	v9 =	vld [tilespmem:s31+$0xFFFFFFB0]  }
0x2d: {  	v10 =	vld [tilespmem:s31+$0x30]  }
0x2e: {  	v11 =	vld [tilespmem:s31+$0xFFFFFFC0]  }
0x2f: {  	v12 =	vld [tilespmem:s31+$0x40]  }
0x30: {  	v2 =	vld [tilespmem:s31+$0x0];
	vm0 =	vne.s32 v3, v5  }
0x31: {  	v13 =	vld [tilespmem:s31+$0xFFFFFFD0];
	vm1 =	vne.s32 v4, v6  }
0x32: {  	vm2 =	vne.s32 v7, v8;
	v3 =	vld [tilespmem:s31+$0x50]  }
0x33: {  	vm3 =	vne.s32 v9, v10;
	v7 =	vld [tilespmem:s31+$0xFFFFFFE0]  }
0x34: {  	vm4 =	vne.s32 v11, v12;
	v4 =	vld [tilespmem:s31+$0x60]  }
0x35: {  	v63 =	vld [tilespmem:s31+$0xFFFFFF80]  }
0x36: {  	[tilespmem:v5+s7+$0x0] =	vst.idx.add.f32.msk vm0, v1  }
0x37: {  	[tilespmem:v6+s7+$0x0] =	vst.idx.add.f32.msk vm1, v1  }
0x38: {  	[tilespmem:v8+s7+$0x0] =	vst.idx.add.f32.msk vm2, v1  }
0x39: {  	vm0 =	vne.s32 v13, v3;
	[tilespmem:v10+s7+$0x0] =	vst.idx.add.f32.msk vm3, v1;
	vm1 =	vne.s32 v7, v4  }
0x3a: {  	s11 =	simm.s32 $0x0;
	s12 =	simm.s32 $0x180;
	vm2 =	vne.s32 v63, v2;
	[tilespmem:v12+s7+$0x0] =	vst.idx.add.f32.msk vm4, v1;
	vm0 =	vmmov vm0;
	vm1 =	vmmov vm1  }
.LBB2_4:
0x3b: {  	v5 =	vld [tilespmem:s12+$0xFFFFFFF0]  }
0x3c: {  	s11 =	sadd.s32 $0x8, s11;
	v6 =	vld [tilespmem:s12+$0x70]  }
0x3d: {  	p1 =	slt.u32 s11, $0x268;
	v7 =	vld [tilespmem:s12+$0x0]  }
0x3e: {  	v8 =	vld [tilespmem:s12+$0xFFFFFF90]  }
0x3f: {  	v9 =	vld [tilespmem:s12+$0x10]  }
0x40: {  	v10 =	vld [tilespmem:s12+$0xFFFFFFA0]  }
0x41: {  	v11 =	vld [tilespmem:s12+$0x20];
	vm3 =	vne.s32 v5, v6  }
0x42: {  	v5 =	vld [tilespmem:s12+$0xFFFFFFB0]  }
0x43: {  	v12 =	vld [tilespmem:s12+$0x30]  }
0x44: {  	vm4 =	vne.s32 v8, v9;
	v8 =	vld [tilespmem:s12+$0xFFFFFFC0]  }
0x45: {  	v13 =	vld [tilespmem:s12+$0x40]  }
0x46: {  	vm5 =	vne.s32 v10, v11;
	v10 =	vld [tilespmem:s12+$0xFFFFFFD0]  }
0x47: {  	[tilespmem:v6+s7+$0x0] =	vst.idx.add.f32.msk vm3, v1  }
0x48: {  	vm3 =	vne.s32 v5, v12;
	v5 =	vld [tilespmem:s12+$0x50]  }
0x49: {  	v6 =	vld [tilespmem:s12+$0xFFFFFFE0]  }
0x4a: {  	vm6 =	vne.s32 v8, v13;
	v8 =	vld [tilespmem:s12+$0x60]  }
0x4b: {  	v14 =	vld [tilespmem:s12+$0xFFFFFF80]  }
0x4c: {  	[tilespmem:v2+s7+$0x0] =	vst.idx.add.f32.msk vm2, v1;
	v2 =	vmov v7  }
0x4d: {  	[tilespmem:v9+s7+$0x0] =	vst.idx.add.f32.msk vm4, v1;
	vm4 =	vne.s32 v10, v5  }
.Ltmp3:
0x4e: {  	[tilespmem:v11+s7+$0x0] =	vst.idx.add.f32.msk vm5, v1;
	(pc) =	sbr.rel @p1 .LBB2_4-.Ltmp3, $4  }
0x4f: {  	[tilespmem:v12+s7+$0x0] =	vst.idx.add.f32.msk vm3, v1;
	vm3 =	vne.s32 v6, v8  }
0x50: {  	vm2 =	vne.s32 v14, v2;
	[tilespmem:v13+s7+$0x0] =	vst.idx.add.f32.msk vm6, v1  }
0x51: {  	[tilespmem:v3+s7+$0x0] =	vst.idx.add.f32.msk vm0, v1;
	v3 =	vmov v5;
	vm0 =	vmmov vm4  }
0x52: {  	s12 =	sadd.s32 $0x100, s12;
	[tilespmem:v4+s7+$0x0] =	vst.idx.add.f32.msk vm1, v1;
	v4 =	vmov v8;
	vm1 =	vmmov vm3  }
0x53: {  	_ =	sdelay $0x2  }
.Ltmp4:
0x54: {  	_ = 	snop;
	(pc) =	sbr.rel @p0 .LBB2_9-.Ltmp4, $4  }
0x55: {  	_ = 	snop  }
0x56: {  	[tilespmem:v2+s7+$0x0] =	vst.idx.add.f32.msk vm2, v1  }
0x57: {  	[tilespmem:v3+s7+$0x0] =	vst.idx.add.f32.msk vm0, v1  }
0x58: {  	[tilespmem:v4+s7+$0x0] =	vst.idx.add.f32.msk vm1, v1;
	s11 =	simm.s32 $0x0  }
0x59: {  	s12 =	sand.u32 $0x70, s11;
	s13 =	sand.u32 $0x300, s11  }
0x5a: {  	s13 =	sor.u32 s12, s13;
	s12 =	sadd.s32 $0x10, s11  }
.LBB2_7:
0x5b: {  	p1 =	sne.s32 s12, $0x1F0;
	v2 =	vld [tilespmem:s13+$0x4E80]  }
0x5c: {  	v3 =	vld [tilespmem:s13+$0x4E00];
	_ =	sdelay $0x4  }
0x5d: {  	vm0 =	vne.s32 v3, v2;
	_ =	sdelay $0x1  }
.Ltmp5:
0x5e: {  	(pc) =	sbr.rel @p1 .LBB2_7-.Ltmp5, $4  }
0x5f: {  	_ = 	snop  }
0x60: {  	s11 =	sadd.s32 $0x20, s11  }
0x61: {  	s13 =	sand.u32 $0x70, s12;
	s14 =	sand.u32 $0x300, s11  }
0x62: {  	s12 =	sadd.s32 $0x10, s12;
	s13 =	sor.u32 s13, s14;
	[tilespmem:v2+s7+$0x0] =	vst.idx.add.f32.msk vm0, v1  }
.Ltmp6:
0x63: {  	_ = 	snop;
	(pc) =	sbr.rel .LBB2_8-.Ltmp6, $1  }
0x64: {  	_ =	sdelay $0x3  }
.LBB2_10:
0x65: {  	_ =	sfence.sel $0x180000  }
0x66: {  	[bflag:$0x0] =	sbarrier.arrive $0xFFFF  }
0x67: {  	p0 =	sne.s32 s0, $0x0;
	_ =	strace $0x90000047  }
0x68: {  	s0 =	sadd.s32 @!p0 $0x100000, s1;
	[bflag:$0x2] =	sbarrier.arrive $0xFFFF  }
0x69: {  	[sflag:s0] =	ssyncadd.tile.s32 @!p0 $0x1;
	_ =	shalt  }
.Lfunc_end2:
_tile_overlayer_lowered:
.L_overlay_start_2:
0x6a: {  	(tag) =	ssettag $0x2  }
0x6b: {  	s0 =	rddreg [dreg:$0x0];
	s2 =	stileid.u32  }
0x6c: {  	s1 =	rddreg [dreg:$0x1];
	p0 =	sne.s32 s2, $0x0  }
0x6d: {  	s3 =	rddreg [dreg:$0x2];
	[bflag:$0x3] =	sbarrier.arrive $0xFFFF;
	s2 =	simm.s32 @!p0 $0x1C01  }
0x6e: {  	[timem:s3], [sflag:s2] =	dma.local @!p0 [hbm:s0], s1  }
0x6f: {  	s0 =	simm.s32 @!p0 $0x1  }
0x70: {  	_ =	swait.ge @!p0 [sflag:s0], s1  }
0x71: {  	s1 =	ssub.s32 @!p0 $0x0, s1;
	[sflag:s0] =	ssyncset.done @!p0 $0x0  }
0x72: {  	[sflag:s0] =	ssyncadd.s32 @!p0 s1  }
0x73: {  	[bflag:$0x3] =	sbarrier.arrive $0xFFFF  }
0x74: {  	_ =	shalt  }

</sc_bundles>
